<compile_context>
chip_gen: v7x
topology: tpu7x:2x2x1
jax: 0.10.2.dev20260603
libtpu: 0.0.44.dev20260713+nightly
codegen_flags: <defaults>
</compile_context>

<pallas_src>
import functools

import jax
import jax.numpy as jnp
from jax import lax
from jax.experimental import pallas as pl
from jax.experimental.pallas import tpu as pltpu
from jax.experimental.pallas import tpu_sc as plsc

NC = 2
NS = 16
NW = NC * NS


@functools.lru_cache(maxsize=None)
def _make_gather(batch: int, seq: int, vocab: int, dim: int):
    n = batch * seq
    rows_per_w = n // NW
    w_per_batch = seq // rows_per_w
    big = 40
    nbig = rows_per_w // big
    chunks = [big] * nbig + ([rows_per_w - big * nbig] if rows_per_w % big else [])
    offs = [big * i for i in range(len(chunks))]
    nbuf = 3
    nchunk = len(chunks)
    mesh = plsc.VectorSubcoreMesh(core_axis_name="c", subcore_axis_name="s")

    @functools.partial(
        pl.kernel,
        mesh=mesh,
        out_type=jax.ShapeDtypeStruct((batch, seq, dim), jnp.float32),
        scratch_types=[
            pltpu.VMEM((rows_per_w,), jnp.int32),
            pltpu.VMEM((nbuf, big, dim), jnp.float32),
        ]
        + [pltpu.SemaphoreType.DMA] * (2 * nbuf),
    )
    def gather(ids_hbm, table_hbm, out_hbm, idx_v, rows_v, *sems):
        gsem = sems[:nbuf]
        ssem = sems[nbuf:]
        wid = lax.axis_index("s") * NC + lax.axis_index("c")
        bi = wid // w_per_batch
        boff = (wid % w_per_batch) * rows_per_w
        pltpu.sync_copy(ids_hbm.at[bi, pl.ds(boff, rows_per_w)], idx_v)

        def start_gather(c):
            return pltpu.async_copy(
                table_hbm.at[idx_v.at[pl.ds(offs[c], chunks[c])]],
                rows_v.at[c % nbuf, pl.ds(0, chunks[c])], gsem[c % nbuf])

        pending_gather = [start_gather(b) for b in range(min(nbuf, nchunk))]
        pending_gather += [None] * (nbuf - len(pending_gather))
        pending_store = [None] * nbuf
        for c in range(nchunk):
            g = c - 1 + nbuf
            if c >= 1 and g < nchunk:
                pb = (c - 1) % nbuf
                pending_store[pb].wait()
                pending_store[pb] = None
                pending_gather[pb] = start_gather(g)
            buf = c % nbuf
            pending_gather[buf].wait()
            pending_store[buf] = pltpu.async_copy(
                rows_v.at[buf, pl.ds(0, chunks[c])],
                out_hbm.at[bi, pl.ds(boff + offs[c], chunks[c])],
                ssem[buf])
        for st in pending_store:
            if st is not None:
                st.wait()

    return gather


def kernel(input_ids, embed_table):
    batch, seq = input_ids.shape
    vocab, dim = embed_table.shape
    return _make_gather(batch, seq, vocab, dim)(
        input_ids.astype(jnp.int32), embed_table)

# --- scband reference (transcript-rebuilt; emitter-appended) ---
"""Pipeline reference for scband-mock-model-62268435857468 (READ-ONLY COPY).

The authoritative reference and input builder live on the scoring server;
editing this copy changes nothing except your own understanding.
"""

import jax, jax.numpy as jnp
import numpy as np

VOCAB = 100000
DIM = 1024
BATCH = 4
SEQ = 4096


def setup_inputs(seed: int = 0) -> dict:
    key = jax.random.key(seed)
    k_idx, k_tab = jax.random.split(key)
    input_ids = jax.random.randint(k_idx, (BATCH, SEQ), 0, VOCAB, dtype=jnp.int64 if jax.config.jax_enable_x64 else jnp.int32)
    embed_table = jax.random.normal(k_tab, (VOCAB, DIM), dtype=jnp.float32) * 0.02
    return {"input_ids": input_ids, "embed_table": embed_table}


def reference(input_ids, embed_table):
    # _MockModel.embed: nn.Embedding lookup -> table[input_ids]
    return jnp.take(embed_table, input_ids, axis=0)

if __name__ == "__main__":
    import jax
    _d = setup_inputs()
    print(jax.jit(kernel)(*tuple(_d.values())))

</pallas_src>

<mosaic_0001>
#map = affine_map<(d0, d1) -> (0, 0)>
#map1 = affine_map<(d0, d1) -> (0, 0, 0)>
module attributes {stable_mosaic.version = 14 : i64} {
  func.func @gather(%arg0: i32, %arg1: i32, %arg2: memref<4x4096xi32, #tpu.memory_space<hbm>>, %arg3: memref<100000x1024xf32, #tpu.memory_space<hbm>>, %arg4: memref<4x4096x1024xf32, #tpu.memory_space<hbm>>, %arg5: memref<512xi32, #tpu.memory_space<vmem>>, %arg6: memref<3x40x1024xf32, #tpu.memory_space<vmem>>, %arg7: memref<!tpu.dma_semaphore, #tpu.memory_space<semaphore_mem>>, %arg8: memref<!tpu.dma_semaphore, #tpu.memory_space<semaphore_mem>>, %arg9: memref<!tpu.dma_semaphore, #tpu.memory_space<semaphore_mem>>, %arg10: memref<!tpu.dma_semaphore, #tpu.memory_space<semaphore_mem>>, %arg11: memref<!tpu.dma_semaphore, #tpu.memory_space<semaphore_mem>>, %arg12: memref<!tpu.dma_semaphore, #tpu.memory_space<semaphore_mem>>) attributes {dimension_semantics = [#tpu.dimension_semantics<core_parallel>, #tpu.dimension_semantics<subcore_parallel>], iteration_bounds = array<i64: 2, 16>, scalar_prefetch = 0 : i64, scratch_operands = 8 : i64, tpu.core_type = #tpu.core_type<sc_vector_subcore>, window_params = [{transform_indices = #map}, {transform_indices = #map}, {transform_indices = #map1}]} {
    %mul3A = arith.constant 2 : i32
    %mul3A_0 = arith.muli %arg1, %mul3A : i32
    %add3A = arith.addi %mul3A_0, %arg0 : i32
    %jit3A = arith.constant 8 : i32
    %div3A = arith.divsi %add3A, %jit3A : i32
    %sign3A = arith.constant 0 : i32
    %sign3A_1 = arith.cmpi sgt, %add3A, %sign3A : i32
    %sign3A_2 = arith.extui %sign3A_1 : i1 to i32
    %sign3A_3 = arith.constant 0 : i32
    %sign3A_4 = arith.cmpi slt, %add3A, %sign3A_3 : i32
    %sign3A_5 = arith.extui %sign3A_4 : i1 to i32
    %sign3A_6 = arith.subi %sign3A_2, %sign3A_5 : i32
    %sign3A_7 = arith.constant 0 : i32
    %sign3A_8 = arith.cmpi sgt, %jit3A, %sign3A_7 : i32
    %sign3A_9 = arith.extui %sign3A_8 : i1 to i32
    %sign3A_10 = arith.constant 0 : i32
    %sign3A_11 = arith.cmpi slt, %jit3A, %sign3A_10 : i32
    %sign3A_12 = arith.extui %sign3A_11 : i1 to i32
    %sign3A_13 = arith.subi %sign3A_9, %sign3A_12 : i32
    %ne3A = arith.cmpi ne, %sign3A_6, %sign3A_13 : i32
    %rem3A = arith.remsi %add3A, %jit3A : i32
    %ne3A_14 = arith.constant 0 : i32
    %ne3A_15 = arith.cmpi ne, %rem3A, %ne3A_14 : i32
    %and3A = arith.andi %ne3A, %ne3A_15 : i1
    %sub3A = arith.constant 1 : i32
    %sub3A_16 = arith.subi %div3A, %sub3A : i32
    %select_n3A = arith.select %and3A, %sub3A_16, %div3A : i32
    %jit3A_17 = arith.constant 8 : i32
    %eq3A = arith.constant 0 : i32
    %eq3A_18 = arith.cmpi eq, %jit3A_17, %eq3A : i32
    %jit3A_19 = arith.constant 1 : i32
    %select_n3A_20 = arith.select %eq3A_18, %jit3A_19, %jit3A_17 : i32
    %rem3A_21 = arith.remsi %add3A, %select_n3A_20 : i32
    %ne3A_22 = arith.constant 0 : i32
    %ne3A_23 = arith.cmpi ne, %rem3A_21, %ne3A_22 : i32
    %lt3A = arith.constant 0 : i32
    %lt3A_24 = arith.cmpi slt, %rem3A_21, %lt3A : i32
    %lt3A_25 = arith.constant 0 : i32
    %lt3A_26 = arith.cmpi slt, %select_n3A_20, %lt3A_25 : i32
    %ne3A_27 = arith.xori %lt3A_24, %lt3A_26 : i1
    %and3A_28 = arith.andi %ne3A_27, %ne3A_23 : i1
    %add3A_29 = arith.addi %rem3A_21, %select_n3A_20 : i32
    %select_n3A_30 = arith.select %and3A_28, %add3A_29, %rem3A_21 : i32
    %mul3A_31 = arith.constant 512 : i32
    %mul3A_32 = arith.muli %select_n3A_30, %mul3A_31 : i32
    "tpu.region"() ({
      %run_scoped3A = tpu.sem_alloc : memref<!tpu.dma_semaphore, #tpu.memory_space<semaphore_mem>>
      %dma_start3A_707 = tpu.memref_slice %arg2[%select_n3A, %mul3A_32] : memref<4x4096xi32, #tpu.memory_space<hbm>> -> memref<1x512xi32, #tpu.memory_space<hbm>>
      %dma_start3A_708 = tpu.memref_squeeze %dma_start3A_707 : memref<1x512xi32, #tpu.memory_space<hbm>> -> memref<512xi32, #tpu.memory_space<hbm>>
      %dma_start3A_709 = tpu.memref_slice %arg2[%select_n3A, %mul3A_32] : memref<4x4096xi32, #tpu.memory_space<hbm>> -> memref<1x512xi32, #tpu.memory_space<hbm>>
      %dma_start3A_710 = tpu.memref_squeeze %dma_start3A_709 : memref<1x512xi32, #tpu.memory_space<hbm>> -> memref<512xi32, #tpu.memory_space<hbm>>
      tpu.enqueue_dma source(%dma_start3A_710 : memref<512xi32, #tpu.memory_space<hbm>>) target(%arg5 : memref<512xi32, #tpu.memory_space<vmem>>) target_semaphore(%run_scoped3A : memref<!tpu.dma_semaphore, #tpu.memory_space<semaphore_mem>>)
      %dma_wait3A_711 = tpu.memref_slice %arg2[%select_n3A, %mul3A_32] : memref<4x4096xi32, #tpu.memory_space<hbm>> -> memref<1x512xi32, #tpu.memory_space<hbm>>
      %dma_wait3A_712 = tpu.memref_squeeze %dma_wait3A_711 : memref<1x512xi32, #tpu.memory_space<hbm>> -> memref<512xi32, #tpu.memory_space<hbm>>
      %dma_wait3A_713 = tpu.memref_slice %arg2[%select_n3A, %mul3A_32] : memref<4x4096xi32, #tpu.memory_space<hbm>> -> memref<1x512xi32, #tpu.memory_space<hbm>>
      %dma_wait3A_714 = tpu.memref_squeeze %dma_wait3A_713 : memref<1x512xi32, #tpu.memory_space<hbm>> -> memref<512xi32, #tpu.memory_space<hbm>>
      tpu.wait_dma2 semaphore(%run_scoped3A : memref<!tpu.dma_semaphore, #tpu.memory_space<semaphore_mem>>) src(%dma_wait3A_714 : memref<512xi32, #tpu.memory_space<hbm>>) dst(%arg5 : memref<512xi32, #tpu.memory_space<vmem>>)
      tpu.yield
    }) : () -> ()
    %dma_start3A = arith.constant 0 : i32
    %dma_start3A_33 = arith.constant 0 : i32
    %dma_start3A_34 = arith.constant 0 : i32
    %dma_start3A_35 = tpu.memref_slice %arg6[%dma_start3A, %dma_start3A_33, %dma_start3A_34] : memref<3x40x1024xf32, #tpu.memory_space<vmem>> -> memref<1x40x1024xf32, #tpu.memory_space<vmem>>
    %dma_start3A_36 = tpu.memref_squeeze %dma_start3A_35 : memref<1x40x1024xf32, #tpu.memory_space<vmem>> -> memref<40x1024xf32, #tpu.memory_space<vmem>>
    %dma_start3A_37 = arith.constant 0 : i32
    %dma_start3A_38 = tpu.memref_slice %arg5[%dma_start3A_37] : memref<512xi32, #tpu.memory_space<vmem>> -> memref<40xi32, #tpu.memory_space<vmem>>
    %dma_start3A_39 = arith.constant 0 : i32
    %dma_start3A_40 = arith.constant 0 : i32
    %dma_start3A_41 = tpu.memref_slice %arg3[%dma_start3A_39, %dma_start3A_40] : memref<100000x1024xf32, #tpu.memory_space<hbm>> -> memref<100000x1024xf32, #tpu.memory_space<hbm>>
    tpu.enqueue_indirect_dma source(%dma_start3A_41 : memref<100000x1024xf32, #tpu.memory_space<hbm>>) target(%dma_start3A_36 : memref<40x1024xf32, #tpu.memory_space<vmem>>) offsets(%dma_start3A_38 : memref<40xi32, #tpu.memory_space<vmem>>) semaphore(%arg7 : memref<!tpu.dma_semaphore, #tpu.memory_space<semaphore_mem>>)
    %dma_start3A_42 = arith.constant 1 : i32
    %dma_start3A_43 = arith.constant 0 : i32
    %dma_start3A_44 = arith.constant 0 : i32
    %dma_start3A_45 = tpu.memref_slice %arg6[%dma_start3A_42, %dma_start3A_43, %dma_start3A_44] : memref<3x40x1024xf32, #tpu.memory_space<vmem>> -> memref<1x40x1024xf32, #tpu.memory_space<vmem>>
    %dma_start3A_46 = tpu.memref_squeeze %dma_start3A_45 : memref<1x40x1024xf32, #tpu.memory_space<vmem>> -> memref<40x1024xf32, #tpu.memory_space<vmem>>
    %dma_start3A_47 = arith.constant 40 : i32
    %dma_start3A_48 = tpu.memref_slice %arg5[%dma_start3A_47] : memref<512xi32, #tpu.memory_space<vmem>> -> memref<40xi32, #tpu.memory_space<vmem>>
    %dma_start3A_49 = arith.constant 0 : i32
    %dma_start3A_50 = arith.constant 0 : i32
    %dma_start3A_51 = tpu.memref_slice %arg3[%dma_start3A_49, %dma_start3A_50] : memref<100000x1024xf32, #tpu.memory_space<hbm>> -> memref<100000x1024xf32, #tpu.memory_space<hbm>>
    tpu.enqueue_indirect_dma source(%dma_start3A_51 : memref<100000x1024xf32, #tpu.memory_space<hbm>>) target(%dma_start3A_46 : memref<40x1024xf32, #tpu.memory_space<vmem>>) offsets(%dma_start3A_48 : memref<40xi32, #tpu.memory_space<vmem>>) semaphore(%arg8 : memref<!tpu.dma_semaphore, #tpu.memory_space<semaphore_mem>>)
    %dma_start3A_52 = arith.constant 2 : i32
    %dma_start3A_53 = arith.constant 0 : i32
    %dma_start3A_54 = arith.constant 0 : i32
    %dma_start3A_55 = tpu.memref_slice %arg6[%dma_start3A_52, %dma_start3A_53, %dma_start3A_54] : memref<3x40x1024xf32, #tpu.memory_space<vmem>> -> memref<1x40x1024xf32, #tpu.memory_space<vmem>>
    %dma_start3A_56 = tpu.memref_squeeze %dma_start3A_55 : memref<1x40x1024xf32, #tpu.memory_space<vmem>> -> memref<40x1024xf32, #tpu.memory_space<vmem>>
    %dma_start3A_57 = arith.constant 80 : i32
    %dma_start3A_58 = tpu.memref_slice %arg5[%dma_start3A_57] : memref<512xi32, #tpu.memory_space<vmem>> -> memref<40xi32, #tpu.memory_space<vmem>>
    %dma_start3A_59 = arith.constant 0 : i32
    %dma_start3A_60 = arith.constant 0 : i32
    %dma_start3A_61 = tpu.memref_slice %arg3[%dma_start3A_59, %dma_start3A_60] : memref<100000x1024xf32, #tpu.memory_space<hbm>> -> memref<100000x1024xf32, #tpu.memory_space<hbm>>
    tpu.enqueue_indirect_dma source(%dma_start3A_61 : memref<100000x1024xf32, #tpu.memory_space<hbm>>) target(%dma_start3A_56 : memref<40x1024xf32, #tpu.memory_space<vmem>>) offsets(%dma_start3A_58 : memref<40xi32, #tpu.memory_space<vmem>>) semaphore(%arg9 : memref<!tpu.dma_semaphore, #tpu.memory_space<semaphore_mem>>)
    %dma_wait3A = arith.constant 0 : i32
    %dma_wait3A_62 = arith.constant 0 : i32
    %dma_wait3A_63 = arith.constant 0 : i32
    %dma_wait3A_64 = tpu.memref_slice %arg6[%dma_wait3A, %dma_wait3A_62, %dma_wait3A_63] : memref<3x40x1024xf32, #tpu.memory_space<vmem>> -> memref<1x40x1024xf32, #tpu.memory_space<vmem>>
    %dma_wait3A_65 = tpu.memref_squeeze %dma_wait3A_64 : memref<1x40x1024xf32, #tpu.memory_space<vmem>> -> memref<40x1024xf32, #tpu.memory_space<vmem>>
    %dma_wait3A_66 = arith.constant 0 : i32
    %dma_wait3A_67 = tpu.memref_slice %arg5[%dma_wait3A_66] : memref<512xi32, #tpu.memory_space<vmem>> -> memref<40xi32, #tpu.memory_space<vmem>>
    %dma_wait3A_68 = arith.constant 0 : i32
    %dma_wait3A_69 = arith.constant 0 : i32
    %dma_wait3A_70 = tpu.memref_slice %arg3[%dma_wait3A_68, %dma_wait3A_69] : memref<100000x1024xf32, #tpu.memory_space<hbm>> -> memref<100000x1024xf32, #tpu.memory_space<hbm>>
    tpu.wait_indirect_dma semaphore(%arg7 : memref<!tpu.dma_semaphore, #tpu.memory_space<semaphore_mem>>) src(%dma_wait3A_70 : memref<100000x1024xf32, #tpu.memory_space<hbm>>) dst(%dma_wait3A_65 : memref<40x1024xf32, #tpu.memory_space<vmem>>)
    %add3A_71 = arith.constant 0 : i32
    %add3A_72 = arith.addi %mul3A_32, %add3A_71 : i32
    %dma_start3A_73 = arith.constant 0 : i32
    %dma_start3A_74 = arith.constant 0 : i32
    %dma_start3A_75 = arith.constant 0 : i32
    %dma_start3A_76 = tpu.memref_slice %arg6[%dma_start3A_73, %dma_start3A_74, %dma_start3A_75] : memref<3x40x1024xf32, #tpu.memory_space<vmem>> -> memref<1x40x1024xf32, #tpu.memory_space<vmem>>
    %dma_start3A_77 = tpu.memref_squeeze %dma_start3A_76 : memref<1x40x1024xf32, #tpu.memory_space<vmem>> -> memref<40x1024xf32, #tpu.memory_space<vmem>>
    %dma_start3A_78 = arith.constant 0 : i32
    %dma_start3A_79 = tpu.memref_slice %arg4[%select_n3A, %add3A_72, %dma_start3A_78] : memref<4x4096x1024xf32, #tpu.memory_space<hbm>> -> memref<1x40x1024xf32, #tpu.memory_space<hbm>>
    %dma_start3A_80 = tpu.memref_squeeze %dma_start3A_79 : memref<1x40x1024xf32, #tpu.memory_space<hbm>> -> memref<40x1024xf32, #tpu.memory_space<hbm>>
    %dma_start3A_81 = arith.constant 0 : i32
    %dma_start3A_82 = tpu.memref_slice %arg4[%select_n3A, %add3A_72, %dma_start3A_81] : memref<4x4096x1024xf32, #tpu.memory_space<hbm>> -> memref<1x40x1024xf32, #tpu.memory_space<hbm>>
    %dma_start3A_83 = tpu.memref_squeeze %dma_start3A_82 : memref<1x40x1024xf32, #tpu.memory_space<hbm>> -> memref<40x1024xf32, #tpu.memory_space<hbm>>
    %dma_start3A_84 = arith.constant 0 : i32
    %dma_start3A_85 = arith.constant 0 : i32
    %dma_start3A_86 = tpu.memref_slice %arg6[%dma_start3A_73, %dma_start3A_84, %dma_start3A_85] : memref<3x40x1024xf32, #tpu.memory_space<vmem>> -> memref<1x40x1024xf32, #tpu.memory_space<vmem>>
    %dma_start3A_87 = tpu.memref_squeeze %dma_start3A_86 : memref<1x40x1024xf32, #tpu.memory_space<vmem>> -> memref<40x1024xf32, #tpu.memory_space<vmem>>
    tpu.enqueue_dma source(%dma_start3A_87 : memref<40x1024xf32, #tpu.memory_space<vmem>>) target(%dma_start3A_83 : memref<40x1024xf32, #tpu.memory_space<hbm>>) target_semaphore(%arg10 : memref<!tpu.dma_semaphore, #tpu.memory_space<semaphore_mem>>)
    %dma_wait3A_88 = arith.constant 0 : i32
    %dma_wait3A_89 = arith.constant 0 : i32
    %dma_wait3A_90 = arith.constant 0 : i32
    %dma_wait3A_91 = tpu.memref_slice %arg6[%dma_wait3A_88, %dma_wait3A_89, %dma_wait3A_90] : memref<3x40x1024xf32, #tpu.memory_space<vmem>> -> memref<1x40x1024xf32, #tpu.memory_space<vmem>>
    %dma_wait3A_92 = tpu.memref_squeeze %dma_wait3A_91 : memref<1x40x1024xf32, #tpu.memory_space<vmem>> -> memref<40x1024xf32, #tpu.memory_space<vmem>>
    %dma_wait3A_93 = arith.constant 0 : i32
    %dma_wait3A_94 = tpu.memref_slice %arg4[%select_n3A, %add3A_72, %dma_wait3A_93] : memref<4x4096x1024xf32, #tpu.memory_space<hbm>> -> memref<1x40x1024xf32, #tpu.memory_space<hbm>>
    %dma_wait3A_95 = tpu.memref_squeeze %dma_wait3A_94 : memref<1x40x1024xf32, #tpu.memory_space<hbm>> -> memref<40x1024xf32, #tpu.memory_space<hbm>>
    %dma_wait3A_96 = arith.constant 0 : i32
    %dma_wait3A_97 = tpu.memref_slice %arg4[%select_n3A, %add3A_72, %dma_wait3A_96] : memref<4x4096x1024xf32, #tpu.memory_space<hbm>> -> memref<1x40x1024xf32, #tpu.memory_space<hbm>>
    %dma_wait3A_98 = tpu.memref_squeeze %dma_wait3A_97 : memref<1x40x1024xf32, #tpu.memory_space<hbm>> -> memref<40x1024xf32, #tpu.memory_space<hbm>>
    %dma_wait3A_99 = arith.constant 0 : i32
    %dma_wait3A_100 = arith.constant 0 : i32
    %dma_wait3A_101 = tpu.memref_slice %arg6[%dma_wait3A_88, %dma_wait3A_99, %dma_wait3A_100] : memref<3x40x1024xf32, #tpu.memory_space<vmem>> -> memref<1x40x1024xf32, #tpu.memory_space<vmem>>
    %dma_wait3A_102 = tpu.memref_squeeze %dma_wait3A_101 : memref<1x40x1024xf32, #tpu.memory_space<vmem>> -> memref<40x1024xf32, #tpu.memory_space<vmem>>
    tpu.wait_dma2 semaphore(%arg10 : memref<!tpu.dma_semaphore, #tpu.memory_space<semaphore_mem>>) src(%dma_wait3A_102 : memref<40x1024xf32, #tpu.memory_space<vmem>>) dst(%dma_wait3A_98 : memref<40x1024xf32, #tpu.memory_space<hbm>>)
    %dma_start3A_103 = arith.constant 0 : i32
    %dma_start3A_104 = arith.constant 0 : i32
    %dma_start3A_105 = arith.constant 0 : i32
    %dma_start3A_106 = tpu.memref_slice %arg6[%dma_start3A_103, %dma_start3A_104, %dma_start3A_105] : memref<3x40x1024xf32, #tpu.memory_space<vmem>> -> memref<1x40x1024xf32, #tpu.memory_space<vmem>>
    %dma_start3A_107 = tpu.memref_squeeze %dma_start3A_106 : memref<1x40x1024xf32, #tpu.memory_space<vmem>> -> memref<40x1024xf32, #tpu.memory_space<vmem>>
    %dma_start3A_108 = arith.constant 120 : i32
    %dma_start3A_109 = tpu.memref_slice %arg5[%dma_start3A_108] : memref<512xi32, #tpu.memory_space<vmem>> -> memref<40xi32, #tpu.memory_space<vmem>>
    %dma_start3A_110 = arith.constant 0 : i32
    %dma_start3A_111 = arith.constant 0 : i32
    %dma_start3A_112 = tpu.memref_slice %arg3[%dma_start3A_110, %dma_start3A_111] : memref<100000x1024xf32, #tpu.memory_space<hbm>> -> memref<100000x1024xf32, #tpu.memory_space<hbm>>
    tpu.enqueue_indirect_dma source(%dma_start3A_112 : memref<100000x1024xf32, #tpu.memory_space<hbm>>) target(%dma_start3A_107 : memref<40x1024xf32, #tpu.memory_space<vmem>>) offsets(%dma_start3A_109 : memref<40xi32, #tpu.memory_space<vmem>>) semaphore(%arg7 : memref<!tpu.dma_semaphore, #tpu.memory_space<semaphore_mem>>)
    %dma_wait3A_113 = arith.constant 1 : i32
    %dma_wait3A_114 = arith.constant 0 : i32
    %dma_wait3A_115 = arith.constant 0 : i32
    %dma_wait3A_116 = tpu.memref_slice %arg6[%dma_wait3A_113, %dma_wait3A_114, %dma_wait3A_115] : memref<3x40x1024xf32, #tpu.memory_space<vmem>> -> memref<1x40x1024xf32, #tpu.memory_space<vmem>>
    %dma_wait3A_117 = tpu.memref_squeeze %dma_wait3A_116 : memref<1x40x1024xf32, #tpu.memory_space<vmem>> -> memref<40x1024xf32, #tpu.memory_space<vmem>>
    %dma_wait3A_118 = arith.constant 40 : i32
    %dma_wait3A_119 = tpu.memref_slice %arg5[%dma_wait3A_118] : memref<512xi32, #tpu.memory_space<vmem>> -> memref<40xi32, #tpu.memory_space<vmem>>
    %dma_wait3A_120 = arith.constant 0 : i32
    %dma_wait3A_121 = arith.constant 0 : i32
    %dma_wait3A_122 = tpu.memref_slice %arg3[%dma_wait3A_120, %dma_wait3A_121] : memref<100000x1024xf32, #tpu.memory_space<hbm>> -> memref<100000x1024xf32, #tpu.memory_space<hbm>>
    tpu.wait_indirect_dma semaphore(%arg8 : memref<!tpu.dma_semaphore, #tpu.memory_space<semaphore_mem>>) src(%dma_wait3A_122 : memref<100000x1024xf32, #tpu.memory_space<hbm>>) dst(%dma_wait3A_117 : memref<40x1024xf32, #tpu.memory_space<vmem>>)
    %add3A_123 = arith.constant 40 : i32
    %add3A_124 = arith.addi %mul3A_32, %add3A_123 : i32
    %dma_start3A_125 = arith.constant 1 : i32
    %dma_start3A_126 = arith.constant 0 : i32
    %dma_start3A_127 = arith.constant 0 : i32
    %dma_start3A_128 = tpu.memref_slice %arg6[%dma_start3A_125, %dma_start3A_126, %dma_start3A_127] : memref<3x40x1024xf32, #tpu.memory_space<vmem>> -> memref<1x40x1024xf32, #tpu.memory_space<vmem>>
    %dma_start3A_129 = tpu.memref_squeeze %dma_start3A_128 : memref<1x40x1024xf32, #tpu.memory_space<vmem>> -> memref<40x1024xf32, #tpu.memory_space<vmem>>
    %dma_start3A_130 = arith.constant 0 : i32
    %dma_start3A_131 = tpu.memref_slice %arg4[%select_n3A, %add3A_124, %dma_start3A_130] : memref<4x4096x1024xf32, #tpu.memory_space<hbm>> -> memref<1x40x1024xf32, #tpu.memory_space<hbm>>
    %dma_start3A_132 = tpu.memref_squeeze %dma_start3A_131 : memref<1x40x1024xf32, #tpu.memory_space<hbm>> -> memref<40x1024xf32, #tpu.memory_space<hbm>>
    %dma_start3A_133 = arith.constant 0 : i32
    %dma_start3A_134 = tpu.memref_slice %arg4[%select_n3A, %add3A_124, %dma_start3A_133] : memref<4x4096x1024xf32, #tpu.memory_space<hbm>> -> memref<1x40x1024xf32, #tpu.memory_space<hbm>>
    %dma_start3A_135 = tpu.memref_squeeze %dma_start3A_134 : memref<1x40x1024xf32, #tpu.memory_space<hbm>> -> memref<40x1024xf32, #tpu.memory_space<hbm>>
    %dma_start3A_136 = arith.constant 0 : i32
    %dma_start3A_137 = arith.constant 0 : i32
    %dma_start3A_138 = tpu.memref_slice %arg6[%dma_start3A_125, %dma_start3A_136, %dma_start3A_137] : memref<3x40x1024xf32, #tpu.memory_space<vmem>> -> memref<1x40x1024xf32, #tpu.memory_space<vmem>>
    %dma_start3A_139 = tpu.memref_squeeze %dma_start3A_138 : memref<1x40x1024xf32, #tpu.memory_space<vmem>> -> memref<40x1024xf32, #tpu.memory_space<vmem>>
    tpu.enqueue_dma source(%dma_start3A_139 : memref<40x1024xf32, #tpu.memory_space<vmem>>) target(%dma_start3A_135 : memref<40x1024xf32, #tpu.memory_space<hbm>>) target_semaphore(%arg11 : memref<!tpu.dma_semaphore, #tpu.memory_space<semaphore_mem>>)
    %dma_wait3A_140 = arith.constant 1 : i32
    %dma_wait3A_141 = arith.constant 0 : i32
    %dma_wait3A_142 = arith.constant 0 : i32
    %dma_wait3A_143 = tpu.memref_slice %arg6[%dma_wait3A_140, %dma_wait3A_141, %dma_wait3A_142] : memref<3x40x1024xf32, #tpu.memory_space<vmem>> -> memref<1x40x1024xf32, #tpu.memory_space<vmem>>
    %dma_wait3A_144 = tpu.memref_squeeze %dma_wait3A_143 : memref<1x40x1024xf32, #tpu.memory_space<vmem>> -> memref<40x1024xf32, #tpu.memory_space<vmem>>
    %dma_wait3A_145 = arith.constant 0 : i32
    %dma_wait3A_146 = tpu.memref_slice %arg4[%select_n3A, %add3A_124, %dma_wait3A_145] : memref<4x4096x1024xf32, #tpu.memory_space<hbm>> -> memref<1x40x1024xf32, #tpu.memory_space<hbm>>
    %dma_wait3A_147 = tpu.memref_squeeze %dma_wait3A_146 : memref<1x40x1024xf32, #tpu.memory_space<hbm>> -> memref<40x1024xf32, #tpu.memory_space<hbm>>
    %dma_wait3A_148 = arith.constant 0 : i32
    %dma_wait3A_149 = tpu.memref_slice %arg4[%select_n3A, %add3A_124, %dma_wait3A_148] : memref<4x4096x1024xf32, #tpu.memory_space<hbm>> -> memref<1x40x1024xf32, #tpu.memory_space<hbm>>
    %dma_wait3A_150 = tpu.memref_squeeze %dma_wait3A_149 : memref<1x40x1024xf32, #tpu.memory_space<hbm>> -> memref<40x1024xf32, #tpu.memory_space<hbm>>
    %dma_wait3A_151 = arith.constant 0 : i32
    %dma_wait3A_152 = arith.constant 0 : i32
    %dma_wait3A_153 = tpu.memref_slice %arg6[%dma_wait3A_140, %dma_wait3A_151, %dma_wait3A_152] : memref<3x40x1024xf32, #tpu.memory_space<vmem>> -> memref<1x40x1024xf32, #tpu.memory_space<vmem>>
    %dma_wait3A_154 = tpu.memref_squeeze %dma_wait3A_153 : memref<1x40x1024xf32, #tpu.memory_space<vmem>> -> memref<40x1024xf32, #tpu.memory_space<vmem>>
    tpu.wait_dma2 semaphore(%arg11 : memref<!tpu.dma_semaphore, #tpu.memory_space<semaphore_mem>>) src(%dma_wait3A_154 : memref<40x1024xf32, #tpu.memory_space<vmem>>) dst(%dma_wait3A_150 : memref<40x1024xf32, #tpu.memory_space<hbm>>)
    %dma_start3A_155 = arith.constant 1 : i32
    %dma_start3A_156 = arith.constant 0 : i32
    %dma_start3A_157 = arith.constant 0 : i32
    %dma_start3A_158 = tpu.memref_slice %arg6[%dma_start3A_155, %dma_start3A_156, %dma_start3A_157] : memref<3x40x1024xf32, #tpu.memory_space<vmem>> -> memref<1x40x1024xf32, #tpu.memory_space<vmem>>
    %dma_start3A_159 = tpu.memref_squeeze %dma_start3A_158 : memref<1x40x1024xf32, #tpu.memory_space<vmem>> -> memref<40x1024xf32, #tpu.memory_space<vmem>>
    %dma_start3A_160 = arith.constant 160 : i32
    %dma_start3A_161 = tpu.memref_slice %arg5[%dma_start3A_160] : memref<512xi32, #tpu.memory_space<vmem>> -> memref<40xi32, #tpu.memory_space<vmem>>
    %dma_start3A_162 = arith.constant 0 : i32
    %dma_start3A_163 = arith.constant 0 : i32
    %dma_start3A_164 = tpu.memref_slice %arg3[%dma_start3A_162, %dma_start3A_163] : memref<100000x1024xf32, #tpu.memory_space<hbm>> -> memref<100000x1024xf32, #tpu.memory_space<hbm>>
    tpu.enqueue_indirect_dma source(%dma_start3A_164 : memref<100000x1024xf32, #tpu.memory_space<hbm>>) target(%dma_start3A_159 : memref<40x1024xf32, #tpu.memory_space<vmem>>) offsets(%dma_start3A_161 : memref<40xi32, #tpu.memory_space<vmem>>) semaphore(%arg8 : memref<!tpu.dma_semaphore, #tpu.memory_space<semaphore_mem>>)
    %dma_wait3A_165 = arith.constant 2 : i32
    %dma_wait3A_166 = arith.constant 0 : i32
    %dma_wait3A_167 = arith.constant 0 : i32
    %dma_wait3A_168 = tpu.memref_slice %arg6[%dma_wait3A_165, %dma_wait3A_166, %dma_wait3A_167] : memref<3x40x1024xf32, #tpu.memory_space<vmem>> -> memref<1x40x1024xf32, #tpu.memory_space<vmem>>
    %dma_wait3A_169 = tpu.memref_squeeze %dma_wait3A_168 : memref<1x40x1024xf32, #tpu.memory_space<vmem>> -> memref<40x1024xf32, #tpu.memory_space<vmem>>
    %dma_wait3A_170 = arith.constant 80 : i32
    %dma_wait3A_171 = tpu.memref_slice %arg5[%dma_wait3A_170] : memref<512xi32, #tpu.memory_space<vmem>> -> memref<40xi32, #tpu.memory_space<vmem>>
    %dma_wait3A_172 = arith.constant 0 : i32
    %dma_wait3A_173 = arith.constant 0 : i32
    %dma_wait3A_174 = tpu.memref_slice %arg3[%dma_wait3A_172, %dma_wait3A_173] : memref<100000x1024xf32, #tpu.memory_space<hbm>> -> memref<100000x1024xf32, #tpu.memory_space<hbm>>
    tpu.wait_indirect_dma semaphore(%arg9 : memref<!tpu.dma_semaphore, #tpu.memory_space<semaphore_mem>>) src(%dma_wait3A_174 : memref<100000x1024xf32, #tpu.memory_space<hbm>>) dst(%dma_wait3A_169 : memref<40x1024xf32, #tpu.memory_space<vmem>>)
    %add3A_175 = arith.constant 80 : i32
    %add3A_176 = arith.addi %mul3A_32, %add3A_175 : i32
    %dma_start3A_177 = arith.constant 2 : i32
    %dma_start3A_178 = arith.constant 0 : i32
    %dma_start3A_179 = arith.constant 0 : i32
    %dma_start3A_180 = tpu.memref_slice %arg6[%dma_start3A_177, %dma_start3A_178, %dma_start3A_179] : memref<3x40x1024xf32, #tpu.memory_space<vmem>> -> memref<1x40x1024xf32, #tpu.memory_space<vmem>>
    %dma_start3A_181 = tpu.memref_squeeze %dma_start3A_180 : memref<1x40x1024xf32, #tpu.memory_space<vmem>> -> memref<40x1024xf32, #tpu.memory_space<vmem>>
    %dma_start3A_182 = arith.constant 0 : i32
    %dma_start3A_183 = tpu.memref_slice %arg4[%select_n3A, %add3A_176, %dma_start3A_182] : memref<4x4096x1024xf32, #tpu.memory_space<hbm>> -> memref<1x40x1024xf32, #tpu.memory_space<hbm>>
    %dma_start3A_184 = tpu.memref_squeeze %dma_start3A_183 : memref<1x40x1024xf32, #tpu.memory_space<hbm>> -> memref<40x1024xf32, #tpu.memory_space<hbm>>
    %dma_start3A_185 = arith.constant 0 : i32
    %dma_start3A_186 = tpu.memref_slice %arg4[%select_n3A, %add3A_176, %dma_start3A_185] : memref<4x4096x1024xf32, #tpu.memory_space<hbm>> -> memref<1x40x1024xf32, #tpu.memory_space<hbm>>
    %dma_start3A_187 = tpu.memref_squeeze %dma_start3A_186 : memref<1x40x1024xf32, #tpu.memory_space<hbm>> -> memref<40x1024xf32, #tpu.memory_space<hbm>>
    %dma_start3A_188 = arith.constant 0 : i32
    %dma_start3A_189 = arith.constant 0 : i32
    %dma_start3A_190 = tpu.memref_slice %arg6[%dma_start3A_177, %dma_start3A_188, %dma_start3A_189] : memref<3x40x1024xf32, #tpu.memory_space<vmem>> -> memref<1x40x1024xf32, #tpu.memory_space<vmem>>
    %dma_start3A_191 = tpu.memref_squeeze %dma_start3A_190 : memref<1x40x1024xf32, #tpu.memory_space<vmem>> -> memref<40x1024xf32, #tpu.memory_space<vmem>>
    tpu.enqueue_dma source(%dma_start3A_191 : memref<40x1024xf32, #tpu.memory_space<vmem>>) target(%dma_start3A_187 : memref<40x1024xf32, #tpu.memory_space<hbm>>) target_semaphore(%arg12 : memref<!tpu.dma_semaphore, #tpu.memory_space<semaphore_mem>>)
    %dma_wait3A_192 = arith.constant 2 : i32
    %dma_wait3A_193 = arith.constant 0 : i32
    %dma_wait3A_194 = arith.constant 0 : i32
    %dma_wait3A_195 = tpu.memref_slice %arg6[%dma_wait3A_192, %dma_wait3A_193, %dma_wait3A_194] : memref<3x40x1024xf32, #tpu.memory_space<vmem>> -> memref<1x40x1024xf32, #tpu.memory_space<vmem>>
    %dma_wait3A_196 = tpu.memref_squeeze %dma_wait3A_195 : memref<1x40x1024xf32, #tpu.memory_space<vmem>> -> memref<40x1024xf32, #tpu.memory_space<vmem>>
    %dma_wait3A_197 = arith.constant 0 : i32
    %dma_wait3A_198 = tpu.memref_slice %arg4[%select_n3A, %add3A_176, %dma_wait3A_197] : memref<4x4096x1024xf32, #tpu.memory_space<hbm>> -> memref<1x40x1024xf32, #tpu.memory_space<hbm>>
    %dma_wait3A_199 = tpu.memref_squeeze %dma_wait3A_198 : memref<1x40x1024xf32, #tpu.memory_space<hbm>> -> memref<40x1024xf32, #tpu.memory_space<hbm>>
    %dma_wait3A_200 = arith.constant 0 : i32
    %dma_wait3A_201 = tpu.memref_slice %arg4[%select_n3A, %add3A_176, %dma_wait3A_200] : memref<4x4096x1024xf32, #tpu.memory_space<hbm>> -> memref<1x40x1024xf32, #tpu.memory_space<hbm>>
    %dma_wait3A_202 = tpu.memref_squeeze %dma_wait3A_201 : memref<1x40x1024xf32, #tpu.memory_space<hbm>> -> memref<40x1024xf32, #tpu.memory_space<hbm>>
    %dma_wait3A_203 = arith.constant 0 : i32
    %dma_wait3A_204 = arith.constant 0 : i32
    %dma_wait3A_205 = tpu.memref_slice %arg6[%dma_wait3A_192, %dma_wait3A_203, %dma_wait3A_204] : memref<3x40x1024xf32, #tpu.memory_space<vmem>> -> memref<1x40x1024xf32, #tpu.memory_space<vmem>>
    %dma_wait3A_206 = tpu.memref_squeeze %dma_wait3A_205 : memref<1x40x1024xf32, #tpu.memory_space<vmem>> -> memref<40x1024xf32, #tpu.memory_space<vmem>>
    tpu.wait_dma2 semaphore(%arg12 : memref<!tpu.dma_semaphore, #tpu.memory_space<semaphore_mem>>) src(%dma_wait3A_206 : memref<40x1024xf32, #tpu.memory_space<vmem>>) dst(%dma_wait3A_202 : memref<40x1024xf32, #tpu.memory_space<hbm>>)
    %dma_start3A_207 = arith.constant 2 : i32
    %dma_start3A_208 = arith.constant 0 : i32
    %dma_start3A_209 = arith.constant 0 : i32
    %dma_start3A_210 = tpu.memref_slice %arg6[%dma_start3A_207, %dma_start3A_208, %dma_start3A_209] : memref<3x40x1024xf32, #tpu.memory_space<vmem>> -> memref<1x40x1024xf32, #tpu.memory_space<vmem>>
    %dma_start3A_211 = tpu.memref_squeeze %dma_start3A_210 : memref<1x40x1024xf32, #tpu.memory_space<vmem>> -> memref<40x1024xf32, #tpu.memory_space<vmem>>
    %dma_start3A_212 = arith.constant 200 : i32
    %dma_start3A_213 = tpu.memref_slice %arg5[%dma_start3A_212] : memref<512xi32, #tpu.memory_space<vmem>> -> memref<40xi32, #tpu.memory_space<vmem>>
    %dma_start3A_214 = arith.constant 0 : i32
    %dma_start3A_215 = arith.constant 0 : i32
    %dma_start3A_216 = tpu.memref_slice %arg3[%dma_start3A_214, %dma_start3A_215] : memref<100000x1024xf32, #tpu.memory_space<hbm>> -> memref<100000x1024xf32, #tpu.memory_space<hbm>>
    tpu.enqueue_indirect_dma source(%dma_start3A_216 : memref<100000x1024xf32, #tpu.memory_space<hbm>>) target(%dma_start3A_211 : memref<40x1024xf32, #tpu.memory_space<vmem>>) offsets(%dma_start3A_213 : memref<40xi32, #tpu.memory_space<vmem>>) semaphore(%arg9 : memref<!tpu.dma_semaphore, #tpu.memory_space<semaphore_mem>>)
    %dma_wait3A_217 = arith.constant 0 : i32
    %dma_wait3A_218 = arith.constant 0 : i32
    %dma_wait3A_219 = arith.constant 0 : i32
    %dma_wait3A_220 = tpu.memref_slice %arg6[%dma_wait3A_217, %dma_wait3A_218, %dma_wait3A_219] : memref<3x40x1024xf32, #tpu.memory_space<vmem>> -> memref<1x40x1024xf32, #tpu.memory_space<vmem>>
    %dma_wait3A_221 = tpu.memref_squeeze %dma_wait3A_220 : memref<1x40x1024xf32, #tpu.memory_space<vmem>> -> memref<40x1024xf32, #tpu.memory_space<vmem>>
    %dma_wait3A_222 = arith.constant 120 : i32
    %dma_wait3A_223 = tpu.memref_slice %arg5[%dma_wait3A_222] : memref<512xi32, #tpu.memory_space<vmem>> -> memref<40xi32, #tpu.memory_space<vmem>>
    %dma_wait3A_224 = arith.constant 0 : i32
    %dma_wait3A_225 = arith.constant 0 : i32
    %dma_wait3A_226 = tpu.memref_slice %arg3[%dma_wait3A_224, %dma_wait3A_225] : memref<100000x1024xf32, #tpu.memory_space<hbm>> -> memref<100000x1024xf32, #tpu.memory_space<hbm>>
    tpu.wait_indirect_dma semaphore(%arg7 : memref<!tpu.dma_semaphore, #tpu.memory_space<semaphore_mem>>) src(%dma_wait3A_226 : memref<100000x1024xf32, #tpu.memory_space<hbm>>) dst(%dma_wait3A_221 : memref<40x1024xf32, #tpu.memory_space<vmem>>)
    %add3A_227 = arith.constant 120 : i32
    %add3A_228 = arith.addi %mul3A_32, %add3A_227 : i32
    %dma_start3A_229 = arith.constant 0 : i32
    %dma_start3A_230 = arith.constant 0 : i32
    %dma_start3A_231 = arith.constant 0 : i32
    %dma_start3A_232 = tpu.memref_slice %arg6[%dma_start3A_229, %dma_start3A_230, %dma_start3A_231] : memref<3x40x1024xf32, #tpu.memory_space<vmem>> -> memref<1x40x1024xf32, #tpu.memory_space<vmem>>
    %dma_start3A_233 = tpu.memref_squeeze %dma_start3A_232 : memref<1x40x1024xf32, #tpu.memory_space<vmem>> -> memref<40x1024xf32, #tpu.memory_space<vmem>>
    %dma_start3A_234 = arith.constant 0 : i32
    %dma_start3A_235 = tpu.memref_slice %arg4[%select_n3A, %add3A_228, %dma_start3A_234] : memref<4x4096x1024xf32, #tpu.memory_space<hbm>> -> memref<1x40x1024xf32, #tpu.memory_space<hbm>>
    %dma_start3A_236 = tpu.memref_squeeze %dma_start3A_235 : memref<1x40x1024xf32, #tpu.memory_space<hbm>> -> memref<40x1024xf32, #tpu.memory_space<hbm>>
    %dma_start3A_237 = arith.constant 0 : i32
    %dma_start3A_238 = tpu.memref_slice %arg4[%select_n3A, %add3A_228, %dma_start3A_237] : memref<4x4096x1024xf32, #tpu.memory_space<hbm>> -> memref<1x40x1024xf32, #tpu.memory_space<hbm>>
    %dma_start3A_239 = tpu.memref_squeeze %dma_start3A_238 : memref<1x40x1024xf32, #tpu.memory_space<hbm>> -> memref<40x1024xf32, #tpu.memory_space<hbm>>
    %dma_start3A_240 = arith.constant 0 : i32
    %dma_start3A_241 = arith.constant 0 : i32
    %dma_start3A_242 = tpu.memref_slice %arg6[%dma_start3A_229, %dma_start3A_240, %dma_start3A_241] : memref<3x40x1024xf32, #tpu.memory_space<vmem>> -> memref<1x40x1024xf32, #tpu.memory_space<vmem>>
    %dma_start3A_243 = tpu.memref_squeeze %dma_start3A_242 : memref<1x40x1024xf32, #tpu.memory_space<vmem>> -> memref<40x1024xf32, #tpu.memory_space<vmem>>
    tpu.enqueue_dma source(%dma_start3A_243 : memref<40x1024xf32, #tpu.memory_space<vmem>>) target(%dma_start3A_239 : memref<40x1024xf32, #tpu.memory_space<hbm>>) target_semaphore(%arg10 : memref<!tpu.dma_semaphore, #tpu.memory_space<semaphore_mem>>)
    %dma_wait3A_244 = arith.constant 0 : i32
    %dma_wait3A_245 = arith.constant 0 : i32
    %dma_wait3A_246 = arith.constant 0 : i32
    %dma_wait3A_247 = tpu.memref_slice %arg6[%dma_wait3A_244, %dma_wait3A_245, %dma_wait3A_246] : memref<3x40x1024xf32, #tpu.memory_space<vmem>> -> memref<1x40x1024xf32, #tpu.memory_space<vmem>>
    %dma_wait3A_248 = tpu.memref_squeeze %dma_wait3A_247 : memref<1x40x1024xf32, #tpu.memory_space<vmem>> -> memref<40x1024xf32, #tpu.memory_space<vmem>>
    %dma_wait3A_249 = arith.constant 0 : i32
    %dma_wait3A_250 = tpu.memref_slice %arg4[%select_n3A, %add3A_228, %dma_wait3A_249] : memref<4x4096x1024xf32, #tpu.memory_space<hbm>> -> memref<1x40x1024xf32, #tpu.memory_space<hbm>>
    %dma_wait3A_251 = tpu.memref_squeeze %dma_wait3A_250 : memref<1x40x1024xf32, #tpu.memory_space<hbm>> -> memref<40x1024xf32, #tpu.memory_space<hbm>>
    %dma_wait3A_252 = arith.constant 0 : i32
    %dma_wait3A_253 = tpu.memref_slice %arg4[%select_n3A, %add3A_228, %dma_wait3A_252] : memref<4x4096x1024xf32, #tpu.memory_space<hbm>> -> memref<1x40x1024xf32, #tpu.memory_space<hbm>>
    %dma_wait3A_254 = tpu.memref_squeeze %dma_wait3A_253 : memref<1x40x1024xf32, #tpu.memory_space<hbm>> -> memref<40x1024xf32, #tpu.memory_space<hbm>>
    %dma_wait3A_255 = arith.constant 0 : i32
    %dma_wait3A_256 = arith.constant 0 : i32
    %dma_wait3A_257 = tpu.memref_slice %arg6[%dma_wait3A_244, %dma_wait3A_255, %dma_wait3A_256] : memref<3x40x1024xf32, #tpu.memory_space<vmem>> -> memref<1x40x1024xf32, #tpu.memory_space<vmem>>
    %dma_wait3A_258 = tpu.memref_squeeze %dma_wait3A_257 : memref<1x40x1024xf32, #tpu.memory_space<vmem>> -> memref<40x1024xf32, #tpu.memory_space<vmem>>
    tpu.wait_dma2 semaphore(%arg10 : memref<!tpu.dma_semaphore, #tpu.memory_space<semaphore_mem>>) src(%dma_wait3A_258 : memref<40x1024xf32, #tpu.memory_space<vmem>>) dst(%dma_wait3A_254 : memref<40x1024xf32, #tpu.memory_space<hbm>>)
    %dma_start3A_259 = arith.constant 0 : i32
    %dma_start3A_260 = arith.constant 0 : i32
    %dma_start3A_261 = arith.constant 0 : i32
    %dma_start3A_262 = tpu.memref_slice %arg6[%dma_start3A_259, %dma_start3A_260, %dma_start3A_261] : memref<3x40x1024xf32, #tpu.memory_space<vmem>> -> memref<1x40x1024xf32, #tpu.memory_space<vmem>>
    %dma_start3A_263 = tpu.memref_squeeze %dma_start3A_262 : memref<1x40x1024xf32, #tpu.memory_space<vmem>> -> memref<40x1024xf32, #tpu.memory_space<vmem>>
    %dma_start3A_264 = arith.constant 240 : i32
    %dma_start3A_265 = tpu.memref_slice %arg5[%dma_start3A_264] : memref<512xi32, #tpu.memory_space<vmem>> -> memref<40xi32, #tpu.memory_space<vmem>>
    %dma_start3A_266 = arith.constant 0 : i32
    %dma_start3A_267 = arith.constant 0 : i32
    %dma_start3A_268 = tpu.memref_slice %arg3[%dma_start3A_266, %dma_start3A_267] : memref<100000x1024xf32, #tpu.memory_space<hbm>> -> memref<100000x1024xf32, #tpu.memory_space<hbm>>
    tpu.enqueue_indirect_dma source(%dma_start3A_268 : memref<100000x1024xf32, #tpu.memory_space<hbm>>) target(%dma_start3A_263 : memref<40x1024xf32, #tpu.memory_space<vmem>>) offsets(%dma_start3A_265 : memref<40xi32, #tpu.memory_space<vmem>>) semaphore(%arg7 : memref<!tpu.dma_semaphore, #tpu.memory_space<semaphore_mem>>)
    %dma_wait3A_269 = arith.constant 1 : i32
    %dma_wait3A_270 = arith.constant 0 : i32
    %dma_wait3A_271 = arith.constant 0 : i32
    %dma_wait3A_272 = tpu.memref_slice %arg6[%dma_wait3A_269, %dma_wait3A_270, %dma_wait3A_271] : memref<3x40x1024xf32, #tpu.memory_space<vmem>> -> memref<1x40x1024xf32, #tpu.memory_space<vmem>>
    %dma_wait3A_273 = tpu.memref_squeeze %dma_wait3A_272 : memref<1x40x1024xf32, #tpu.memory_space<vmem>> -> memref<40x1024xf32, #tpu.memory_space<vmem>>
    %dma_wait3A_274 = arith.constant 160 : i32
    %dma_wait3A_275 = tpu.memref_slice %arg5[%dma_wait3A_274] : memref<512xi32, #tpu.memory_space<vmem>> -> memref<40xi32, #tpu.memory_space<vmem>>
    %dma_wait3A_276 = arith.constant 0 : i32
    %dma_wait3A_277 = arith.constant 0 : i32
    %dma_wait3A_278 = tpu.memref_slice %arg3[%dma_wait3A_276, %dma_wait3A_277] : memref<100000x1024xf32, #tpu.memory_space<hbm>> -> memref<100000x1024xf32, #tpu.memory_space<hbm>>
    tpu.wait_indirect_dma semaphore(%arg8 : memref<!tpu.dma_semaphore, #tpu.memory_space<semaphore_mem>>) src(%dma_wait3A_278 : memref<100000x1024xf32, #tpu.memory_space<hbm>>) dst(%dma_wait3A_273 : memref<40x1024xf32, #tpu.memory_space<vmem>>)
    %add3A_279 = arith.constant 160 : i32
    %add3A_280 = arith.addi %mul3A_32, %add3A_279 : i32
    %dma_start3A_281 = arith.constant 1 : i32
    %dma_start3A_282 = arith.constant 0 : i32
    %dma_start3A_283 = arith.constant 0 : i32
    %dma_start3A_284 = tpu.memref_slice %arg6[%dma_start3A_281, %dma_start3A_282, %dma_start3A_283] : memref<3x40x1024xf32, #tpu.memory_space<vmem>> -> memref<1x40x1024xf32, #tpu.memory_space<vmem>>
    %dma_start3A_285 = tpu.memref_squeeze %dma_start3A_284 : memref<1x40x1024xf32, #tpu.memory_space<vmem>> -> memref<40x1024xf32, #tpu.memory_space<vmem>>
    %dma_start3A_286 = arith.constant 0 : i32
    %dma_start3A_287 = tpu.memref_slice %arg4[%select_n3A, %add3A_280, %dma_start3A_286] : memref<4x4096x1024xf32, #tpu.memory_space<hbm>> -> memref<1x40x1024xf32, #tpu.memory_space<hbm>>
    %dma_start3A_288 = tpu.memref_squeeze %dma_start3A_287 : memref<1x40x1024xf32, #tpu.memory_space<hbm>> -> memref<40x1024xf32, #tpu.memory_space<hbm>>
    %dma_start3A_289 = arith.constant 0 : i32
    %dma_start3A_290 = tpu.memref_slice %arg4[%select_n3A, %add3A_280, %dma_start3A_289] : memref<4x4096x1024xf32, #tpu.memory_space<hbm>> -> memref<1x40x1024xf32, #tpu.memory_space<hbm>>
    %dma_start3A_291 = tpu.memref_squeeze %dma_start3A_290 : memref<1x40x1024xf32, #tpu.memory_space<hbm>> -> memref<40x1024xf32, #tpu.memory_space<hbm>>
    %dma_start3A_292 = arith.constant 0 : i32
    %dma_start3A_293 = arith.constant 0 : i32
    %dma_start3A_294 = tpu.memref_slice %arg6[%dma_start3A_281, %dma_start3A_292, %dma_start3A_293] : memref<3x40x1024xf32, #tpu.memory_space<vmem>> -> memref<1x40x1024xf32, #tpu.memory_space<vmem>>
    %dma_start3A_295 = tpu.memref_squeeze %dma_start3A_294 : memref<1x40x1024xf32, #tpu.memory_space<vmem>> -> memref<40x1024xf32, #tpu.memory_space<vmem>>
    tpu.enqueue_dma source(%dma_start3A_295 : memref<40x1024xf32, #tpu.memory_space<vmem>>) target(%dma_start3A_291 : memref<40x1024xf32, #tpu.memory_space<hbm>>) target_semaphore(%arg11 : memref<!tpu.dma_semaphore, #tpu.memory_space<semaphore_mem>>)
    %dma_wait3A_296 = arith.constant 1 : i32
    %dma_wait3A_297 = arith.constant 0 : i32
    %dma_wait3A_298 = arith.constant 0 : i32
    %dma_wait3A_299 = tpu.memref_slice %arg6[%dma_wait3A_296, %dma_wait3A_297, %dma_wait3A_298] : memref<3x40x1024xf32, #tpu.memory_space<vmem>> -> memref<1x40x1024xf32, #tpu.memory_space<vmem>>
    %dma_wait3A_300 = tpu.memref_squeeze %dma_wait3A_299 : memref<1x40x1024xf32, #tpu.memory_space<vmem>> -> memref<40x1024xf32, #tpu.memory_space<vmem>>
    %dma_wait3A_301 = arith.constant 0 : i32
    %dma_wait3A_302 = tpu.memref_slice %arg4[%select_n3A, %add3A_280, %dma_wait3A_301] : memref<4x4096x1024xf32, #tpu.memory_space<hbm>> -> memref<1x40x1024xf32, #tpu.memory_space<hbm>>
    %dma_wait3A_303 = tpu.memref_squeeze %dma_wait3A_302 : memref<1x40x1024xf32, #tpu.memory_space<hbm>> -> memref<40x1024xf32, #tpu.memory_space<hbm>>
    %dma_wait3A_304 = arith.constant 0 : i32
    %dma_wait3A_305 = tpu.memref_slice %arg4[%select_n3A, %add3A_280, %dma_wait3A_304] : memref<4x4096x1024xf32, #tpu.memory_space<hbm>> -> memref<1x40x1024xf32, #tpu.memory_space<hbm>>
    %dma_wait3A_306 = tpu.memref_squeeze %dma_wait3A_305 : memref<1x40x1024xf32, #tpu.memory_space<hbm>> -> memref<40x1024xf32, #tpu.memory_space<hbm>>
    %dma_wait3A_307 = arith.constant 0 : i32
    %dma_wait3A_308 = arith.constant 0 : i32
    %dma_wait3A_309 = tpu.memref_slice %arg6[%dma_wait3A_296, %dma_wait3A_307, %dma_wait3A_308] : memref<3x40x1024xf32, #tpu.memory_space<vmem>> -> memref<1x40x1024xf32, #tpu.memory_space<vmem>>
    %dma_wait3A_310 = tpu.memref_squeeze %dma_wait3A_309 : memref<1x40x1024xf32, #tpu.memory_space<vmem>> -> memref<40x1024xf32, #tpu.memory_space<vmem>>
    tpu.wait_dma2 semaphore(%arg11 : memref<!tpu.dma_semaphore, #tpu.memory_space<semaphore_mem>>) src(%dma_wait3A_310 : memref<40x1024xf32, #tpu.memory_space<vmem>>) dst(%dma_wait3A_306 : memref<40x1024xf32, #tpu.memory_space<hbm>>)
    %dma_start3A_311 = arith.constant 1 : i32
    %dma_start3A_312 = arith.constant 0 : i32
    %dma_start3A_313 = arith.constant 0 : i32
    %dma_start3A_314 = tpu.memref_slice %arg6[%dma_start3A_311, %dma_start3A_312, %dma_start3A_313] : memref<3x40x1024xf32, #tpu.memory_space<vmem>> -> memref<1x40x1024xf32, #tpu.memory_space<vmem>>
    %dma_start3A_315 = tpu.memref_squeeze %dma_start3A_314 : memref<1x40x1024xf32, #tpu.memory_space<vmem>> -> memref<40x1024xf32, #tpu.memory_space<vmem>>
    %dma_start3A_316 = arith.constant 280 : i32
    %dma_start3A_317 = tpu.memref_slice %arg5[%dma_start3A_316] : memref<512xi32, #tpu.memory_space<vmem>> -> memref<40xi32, #tpu.memory_space<vmem>>
    %dma_start3A_318 = arith.constant 0 : i32
    %dma_start3A_319 = arith.constant 0 : i32
    %dma_start3A_320 = tpu.memref_slice %arg3[%dma_start3A_318, %dma_start3A_319] : memref<100000x1024xf32, #tpu.memory_space<hbm>> -> memref<100000x1024xf32, #tpu.memory_space<hbm>>
    tpu.enqueue_indirect_dma source(%dma_start3A_320 : memref<100000x1024xf32, #tpu.memory_space<hbm>>) target(%dma_start3A_315 : memref<40x1024xf32, #tpu.memory_space<vmem>>) offsets(%dma_start3A_317 : memref<40xi32, #tpu.memory_space<vmem>>) semaphore(%arg8 : memref<!tpu.dma_semaphore, #tpu.memory_space<semaphore_mem>>)
    %dma_wait3A_321 = arith.constant 2 : i32
    %dma_wait3A_322 = arith.constant 0 : i32
    %dma_wait3A_323 = arith.constant 0 : i32
    %dma_wait3A_324 = tpu.memref_slice %arg6[%dma_wait3A_321, %dma_wait3A_322, %dma_wait3A_323] : memref<3x40x1024xf32, #tpu.memory_space<vmem>> -> memref<1x40x1024xf32, #tpu.memory_space<vmem>>
    %dma_wait3A_325 = tpu.memref_squeeze %dma_wait3A_324 : memref<1x40x1024xf32, #tpu.memory_space<vmem>> -> memref<40x1024xf32, #tpu.memory_space<vmem>>
    %dma_wait3A_326 = arith.constant 200 : i32
    %dma_wait3A_327 = tpu.memref_slice %arg5[%dma_wait3A_326] : memref<512xi32, #tpu.memory_space<vmem>> -> memref<40xi32, #tpu.memory_space<vmem>>
    %dma_wait3A_328 = arith.constant 0 : i32
    %dma_wait3A_329 = arith.constant 0 : i32
    %dma_wait3A_330 = tpu.memref_slice %arg3[%dma_wait3A_328, %dma_wait3A_329] : memref<100000x1024xf32, #tpu.memory_space<hbm>> -> memref<100000x1024xf32, #tpu.memory_space<hbm>>
    tpu.wait_indirect_dma semaphore(%arg9 : memref<!tpu.dma_semaphore, #tpu.memory_space<semaphore_mem>>) src(%dma_wait3A_330 : memref<100000x1024xf32, #tpu.memory_space<hbm>>) dst(%dma_wait3A_325 : memref<40x1024xf32, #tpu.memory_space<vmem>>)
    %add3A_331 = arith.constant 200 : i32
    %add3A_332 = arith.addi %mul3A_32, %add3A_331 : i32
    %dma_start3A_333 = arith.constant 2 : i32
    %dma_start3A_334 = arith.constant 0 : i32
    %dma_start3A_335 = arith.constant 0 : i32
    %dma_start3A_336 = tpu.memref_slice %arg6[%dma_start3A_333, %dma_start3A_334, %dma_start3A_335] : memref<3x40x1024xf32, #tpu.memory_space<vmem>> -> memref<1x40x1024xf32, #tpu.memory_space<vmem>>
    %dma_start3A_337 = tpu.memref_squeeze %dma_start3A_336 : memref<1x40x1024xf32, #tpu.memory_space<vmem>> -> memref<40x1024xf32, #tpu.memory_space<vmem>>
    %dma_start3A_338 = arith.constant 0 : i32
    %dma_start3A_339 = tpu.memref_slice %arg4[%select_n3A, %add3A_332, %dma_start3A_338] : memref<4x4096x1024xf32, #tpu.memory_space<hbm>> -> memref<1x40x1024xf32, #tpu.memory_space<hbm>>
    %dma_start3A_340 = tpu.memref_squeeze %dma_start3A_339 : memref<1x40x1024xf32, #tpu.memory_space<hbm>> -> memref<40x1024xf32, #tpu.memory_space<hbm>>
    %dma_start3A_341 = arith.constant 0 : i32
    %dma_start3A_342 = tpu.memref_slice %arg4[%select_n3A, %add3A_332, %dma_start3A_341] : memref<4x4096x1024xf32, #tpu.memory_space<hbm>> -> memref<1x40x1024xf32, #tpu.memory_space<hbm>>
    %dma_start3A_343 = tpu.memref_squeeze %dma_start3A_342 : memref<1x40x1024xf32, #tpu.memory_space<hbm>> -> memref<40x1024xf32, #tpu.memory_space<hbm>>
    %dma_start3A_344 = arith.constant 0 : i32
    %dma_start3A_345 = arith.constant 0 : i32
    %dma_start3A_346 = tpu.memref_slice %arg6[%dma_start3A_333, %dma_start3A_344, %dma_start3A_345] : memref<3x40x1024xf32, #tpu.memory_space<vmem>> -> memref<1x40x1024xf32, #tpu.memory_space<vmem>>
    %dma_start3A_347 = tpu.memref_squeeze %dma_start3A_346 : memref<1x40x1024xf32, #tpu.memory_space<vmem>> -> memref<40x1024xf32, #tpu.memory_space<vmem>>
    tpu.enqueue_dma source(%dma_start3A_347 : memref<40x1024xf32, #tpu.memory_space<vmem>>) target(%dma_start3A_343 : memref<40x1024xf32, #tpu.memory_space<hbm>>) target_semaphore(%arg12 : memref<!tpu.dma_semaphore, #tpu.memory_space<semaphore_mem>>)
    %dma_wait3A_348 = arith.constant 2 : i32
    %dma_wait3A_349 = arith.constant 0 : i32
    %dma_wait3A_350 = arith.constant 0 : i32
    %dma_wait3A_351 = tpu.memref_slice %arg6[%dma_wait3A_348, %dma_wait3A_349, %dma_wait3A_350] : memref<3x40x1024xf32, #tpu.memory_space<vmem>> -> memref<1x40x1024xf32, #tpu.memory_space<vmem>>
    %dma_wait3A_352 = tpu.memref_squeeze %dma_wait3A_351 : memref<1x40x1024xf32, #tpu.memory_space<vmem>> -> memref<40x1024xf32, #tpu.memory_space<vmem>>
    %dma_wait3A_353 = arith.constant 0 : i32
    %dma_wait3A_354 = tpu.memref_slice %arg4[%select_n3A, %add3A_332, %dma_wait3A_353] : memref<4x4096x1024xf32, #tpu.memory_space<hbm>> -> memref<1x40x1024xf32, #tpu.memory_space<hbm>>
    %dma_wait3A_355 = tpu.memref_squeeze %dma_wait3A_354 : memref<1x40x1024xf32, #tpu.memory_space<hbm>> -> memref<40x1024xf32, #tpu.memory_space<hbm>>
    %dma_wait3A_356 = arith.constant 0 : i32
    %dma_wait3A_357 = tpu.memref_slice %arg4[%select_n3A, %add3A_332, %dma_wait3A_356] : memref<4x4096x1024xf32, #tpu.memory_space<hbm>> -> memref<1x40x1024xf32, #tpu.memory_space<hbm>>
    %dma_wait3A_358 = tpu.memref_squeeze %dma_wait3A_357 : memref<1x40x1024xf32, #tpu.memory_space<hbm>> -> memref<40x1024xf32, #tpu.memory_space<hbm>>
    %dma_wait3A_359 = arith.constant 0 : i32
    %dma_wait3A_360 = arith.constant 0 : i32
    %dma_wait3A_361 = tpu.memref_slice %arg6[%dma_wait3A_348, %dma_wait3A_359, %dma_wait3A_360] : memref<3x40x1024xf32, #tpu.memory_space<vmem>> -> memref<1x40x1024xf32, #tpu.memory_space<vmem>>
    %dma_wait3A_362 = tpu.memref_squeeze %dma_wait3A_361 : memref<1x40x1024xf32, #tpu.memory_space<vmem>> -> memref<40x1024xf32, #tpu.memory_space<vmem>>
    tpu.wait_dma2 semaphore(%arg12 : memref<!tpu.dma_semaphore, #tpu.memory_space<semaphore_mem>>) src(%dma_wait3A_362 : memref<40x1024xf32, #tpu.memory_space<vmem>>) dst(%dma_wait3A_358 : memref<40x1024xf32, #tpu.memory_space<hbm>>)
    %dma_start3A_363 = arith.constant 2 : i32
    %dma_start3A_364 = arith.constant 0 : i32
    %dma_start3A_365 = arith.constant 0 : i32
    %dma_start3A_366 = tpu.memref_slice %arg6[%dma_start3A_363, %dma_start3A_364, %dma_start3A_365] : memref<3x40x1024xf32, #tpu.memory_space<vmem>> -> memref<1x40x1024xf32, #tpu.memory_space<vmem>>
    %dma_start3A_367 = tpu.memref_squeeze %dma_start3A_366 : memref<1x40x1024xf32, #tpu.memory_space<vmem>> -> memref<40x1024xf32, #tpu.memory_space<vmem>>
    %dma_start3A_368 = arith.constant 320 : i32
    %dma_start3A_369 = tpu.memref_slice %arg5[%dma_start3A_368] : memref<512xi32, #tpu.memory_space<vmem>> -> memref<40xi32, #tpu.memory_space<vmem>>
    %dma_start3A_370 = arith.constant 0 : i32
    %dma_start3A_371 = arith.constant 0 : i32
    %dma_start3A_372 = tpu.memref_slice %arg3[%dma_start3A_370, %dma_start3A_371] : memref<100000x1024xf32, #tpu.memory_space<hbm>> -> memref<100000x1024xf32, #tpu.memory_space<hbm>>
    tpu.enqueue_indirect_dma source(%dma_start3A_372 : memref<100000x1024xf32, #tpu.memory_space<hbm>>) target(%dma_start3A_367 : memref<40x1024xf32, #tpu.memory_space<vmem>>) offsets(%dma_start3A_369 : memref<40xi32, #tpu.memory_space<vmem>>) semaphore(%arg9 : memref<!tpu.dma_semaphore, #tpu.memory_space<semaphore_mem>>)
    %dma_wait3A_373 = arith.constant 0 : i32
    %dma_wait3A_374 = arith.constant 0 : i32
    %dma_wait3A_375 = arith.constant 0 : i32
    %dma_wait3A_376 = tpu.memref_slice %arg6[%dma_wait3A_373, %dma_wait3A_374, %dma_wait3A_375] : memref<3x40x1024xf32, #tpu.memory_space<vmem>> -> memref<1x40x1024xf32, #tpu.memory_space<vmem>>
    %dma_wait3A_377 = tpu.memref_squeeze %dma_wait3A_376 : memref<1x40x1024xf32, #tpu.memory_space<vmem>> -> memref<40x1024xf32, #tpu.memory_space<vmem>>
    %dma_wait3A_378 = arith.constant 240 : i32
    %dma_wait3A_379 = tpu.memref_slice %arg5[%dma_wait3A_378] : memref<512xi32, #tpu.memory_space<vmem>> -> memref<40xi32, #tpu.memory_space<vmem>>
    %dma_wait3A_380 = arith.constant 0 : i32
    %dma_wait3A_381 = arith.constant 0 : i32
    %dma_wait3A_382 = tpu.memref_slice %arg3[%dma_wait3A_380, %dma_wait3A_381] : memref<100000x1024xf32, #tpu.memory_space<hbm>> -> memref<100000x1024xf32, #tpu.memory_space<hbm>>
    tpu.wait_indirect_dma semaphore(%arg7 : memref<!tpu.dma_semaphore, #tpu.memory_space<semaphore_mem>>) src(%dma_wait3A_382 : memref<100000x1024xf32, #tpu.memory_space<hbm>>) dst(%dma_wait3A_377 : memref<40x1024xf32, #tpu.memory_space<vmem>>)
    %add3A_383 = arith.constant 240 : i32
    %add3A_384 = arith.addi %mul3A_32, %add3A_383 : i32
    %dma_start3A_385 = arith.constant 0 : i32
    %dma_start3A_386 = arith.constant 0 : i32
    %dma_start3A_387 = arith.constant 0 : i32
    %dma_start3A_388 = tpu.memref_slice %arg6[%dma_start3A_385, %dma_start3A_386, %dma_start3A_387] : memref<3x40x1024xf32, #tpu.memory_space<vmem>> -> memref<1x40x1024xf32, #tpu.memory_space<vmem>>
    %dma_start3A_389 = tpu.memref_squeeze %dma_start3A_388 : memref<1x40x1024xf32, #tpu.memory_space<vmem>> -> memref<40x1024xf32, #tpu.memory_space<vmem>>
    %dma_start3A_390 = arith.constant 0 : i32
    %dma_start3A_391 = tpu.memref_slice %arg4[%select_n3A, %add3A_384, %dma_start3A_390] : memref<4x4096x1024xf32, #tpu.memory_space<hbm>> -> memref<1x40x1024xf32, #tpu.memory_space<hbm>>
    %dma_start3A_392 = tpu.memref_squeeze %dma_start3A_391 : memref<1x40x1024xf32, #tpu.memory_space<hbm>> -> memref<40x1024xf32, #tpu.memory_space<hbm>>
    %dma_start3A_393 = arith.constant 0 : i32
    %dma_start3A_394 = tpu.memref_slice %arg4[%select_n3A, %add3A_384, %dma_start3A_393] : memref<4x4096x1024xf32, #tpu.memory_space<hbm>> -> memref<1x40x1024xf32, #tpu.memory_space<hbm>>
    %dma_start3A_395 = tpu.memref_squeeze %dma_start3A_394 : memref<1x40x1024xf32, #tpu.memory_space<hbm>> -> memref<40x1024xf32, #tpu.memory_space<hbm>>
    %dma_start3A_396 = arith.constant 0 : i32
    %dma_start3A_397 = arith.constant 0 : i32
    %dma_start3A_398 = tpu.memref_slice %arg6[%dma_start3A_385, %dma_start3A_396, %dma_start3A_397] : memref<3x40x1024xf32, #tpu.memory_space<vmem>> -> memref<1x40x1024xf32, #tpu.memory_space<vmem>>
    %dma_start3A_399 = tpu.memref_squeeze %dma_start3A_398 : memref<1x40x1024xf32, #tpu.memory_space<vmem>> -> memref<40x1024xf32, #tpu.memory_space<vmem>>
    tpu.enqueue_dma source(%dma_start3A_399 : memref<40x1024xf32, #tpu.memory_space<vmem>>) target(%dma_start3A_395 : memref<40x1024xf32, #tpu.memory_space<hbm>>) target_semaphore(%arg10 : memref<!tpu.dma_semaphore, #tpu.memory_space<semaphore_mem>>)
    %dma_wait3A_400 = arith.constant 0 : i32
    %dma_wait3A_401 = arith.constant 0 : i32
    %dma_wait3A_402 = arith.constant 0 : i32
    %dma_wait3A_403 = tpu.memref_slice %arg6[%dma_wait3A_400, %dma_wait3A_401, %dma_wait3A_402] : memref<3x40x1024xf32, #tpu.memory_space<vmem>> -> memref<1x40x1024xf32, #tpu.memory_space<vmem>>
    %dma_wait3A_404 = tpu.memref_squeeze %dma_wait3A_403 : memref<1x40x1024xf32, #tpu.memory_space<vmem>> -> memref<40x1024xf32, #tpu.memory_space<vmem>>
    %dma_wait3A_405 = arith.constant 0 : i32
    %dma_wait3A_406 = tpu.memref_slice %arg4[%select_n3A, %add3A_384, %dma_wait3A_405] : memref<4x4096x1024xf32, #tpu.memory_space<hbm>> -> memref<1x40x1024xf32, #tpu.memory_space<hbm>>
    %dma_wait3A_407 = tpu.memref_squeeze %dma_wait3A_406 : memref<1x40x1024xf32, #tpu.memory_space<hbm>> -> memref<40x1024xf32, #tpu.memory_space<hbm>>
    %dma_wait3A_408 = arith.constant 0 : i32
    %dma_wait3A_409 = tpu.memref_slice %arg4[%select_n3A, %add3A_384, %dma_wait3A_408] : memref<4x4096x1024xf32, #tpu.memory_space<hbm>> -> memref<1x40x1024xf32, #tpu.memory_space<hbm>>
    %dma_wait3A_410 = tpu.memref_squeeze %dma_wait3A_409 : memref<1x40x1024xf32, #tpu.memory_space<hbm>> -> memref<40x1024xf32, #tpu.memory_space<hbm>>
    %dma_wait3A_411 = arith.constant 0 : i32
    %dma_wait3A_412 = arith.constant 0 : i32
    %dma_wait3A_413 = tpu.memref_slice %arg6[%dma_wait3A_400, %dma_wait3A_411, %dma_wait3A_412] : memref<3x40x1024xf32, #tpu.memory_space<vmem>> -> memref<1x40x1024xf32, #tpu.memory_space<vmem>>
    %dma_wait3A_414 = tpu.memref_squeeze %dma_wait3A_413 : memref<1x40x1024xf32, #tpu.memory_space<vmem>> -> memref<40x1024xf32, #tpu.memory_space<vmem>>
    tpu.wait_dma2 semaphore(%arg10 : memref<!tpu.dma_semaphore, #tpu.memory_space<semaphore_mem>>) src(%dma_wait3A_414 : memref<40x1024xf32, #tpu.memory_space<vmem>>) dst(%dma_wait3A_410 : memref<40x1024xf32, #tpu.memory_space<hbm>>)
    %dma_start3A_415 = arith.constant 0 : i32
    %dma_start3A_416 = arith.constant 0 : i32
    %dma_start3A_417 = arith.constant 0 : i32
    %dma_start3A_418 = tpu.memref_slice %arg6[%dma_start3A_415, %dma_start3A_416, %dma_start3A_417] : memref<3x40x1024xf32, #tpu.memory_space<vmem>> -> memref<1x40x1024xf32, #tpu.memory_space<vmem>>
    %dma_start3A_419 = tpu.memref_squeeze %dma_start3A_418 : memref<1x40x1024xf32, #tpu.memory_space<vmem>> -> memref<40x1024xf32, #tpu.memory_space<vmem>>
    %dma_start3A_420 = arith.constant 360 : i32
    %dma_start3A_421 = tpu.memref_slice %arg5[%dma_start3A_420] : memref<512xi32, #tpu.memory_space<vmem>> -> memref<40xi32, #tpu.memory_space<vmem>>
    %dma_start3A_422 = arith.constant 0 : i32
    %dma_start3A_423 = arith.constant 0 : i32
    %dma_start3A_424 = tpu.memref_slice %arg3[%dma_start3A_422, %dma_start3A_423] : memref<100000x1024xf32, #tpu.memory_space<hbm>> -> memref<100000x1024xf32, #tpu.memory_space<hbm>>
    tpu.enqueue_indirect_dma source(%dma_start3A_424 : memref<100000x1024xf32, #tpu.memory_space<hbm>>) target(%dma_start3A_419 : memref<40x1024xf32, #tpu.memory_space<vmem>>) offsets(%dma_start3A_421 : memref<40xi32, #tpu.memory_space<vmem>>) semaphore(%arg7 : memref<!tpu.dma_semaphore, #tpu.memory_space<semaphore_mem>>)
    %dma_wait3A_425 = arith.constant 1 : i32
    %dma_wait3A_426 = arith.constant 0 : i32
    %dma_wait3A_427 = arith.constant 0 : i32
    %dma_wait3A_428 = tpu.memref_slice %arg6[%dma_wait3A_425, %dma_wait3A_426, %dma_wait3A_427] : memref<3x40x1024xf32, #tpu.memory_space<vmem>> -> memref<1x40x1024xf32, #tpu.memory_space<vmem>>
    %dma_wait3A_429 = tpu.memref_squeeze %dma_wait3A_428 : memref<1x40x1024xf32, #tpu.memory_space<vmem>> -> memref<40x1024xf32, #tpu.memory_space<vmem>>
    %dma_wait3A_430 = arith.constant 280 : i32
    %dma_wait3A_431 = tpu.memref_slice %arg5[%dma_wait3A_430] : memref<512xi32, #tpu.memory_space<vmem>> -> memref<40xi32, #tpu.memory_space<vmem>>
    %dma_wait3A_432 = arith.constant 0 : i32
    %dma_wait3A_433 = arith.constant 0 : i32
    %dma_wait3A_434 = tpu.memref_slice %arg3[%dma_wait3A_432, %dma_wait3A_433] : memref<100000x1024xf32, #tpu.memory_space<hbm>> -> memref<100000x1024xf32, #tpu.memory_space<hbm>>
    tpu.wait_indirect_dma semaphore(%arg8 : memref<!tpu.dma_semaphore, #tpu.memory_space<semaphore_mem>>) src(%dma_wait3A_434 : memref<100000x1024xf32, #tpu.memory_space<hbm>>) dst(%dma_wait3A_429 : memref<40x1024xf32, #tpu.memory_space<vmem>>)
    %add3A_435 = arith.constant 280 : i32
    %add3A_436 = arith.addi %mul3A_32, %add3A_435 : i32
    %dma_start3A_437 = arith.constant 1 : i32
    %dma_start3A_438 = arith.constant 0 : i32
    %dma_start3A_439 = arith.constant 0 : i32
    %dma_start3A_440 = tpu.memref_slice %arg6[%dma_start3A_437, %dma_start3A_438, %dma_start3A_439] : memref<3x40x1024xf32, #tpu.memory_space<vmem>> -> memref<1x40x1024xf32, #tpu.memory_space<vmem>>
    %dma_start3A_441 = tpu.memref_squeeze %dma_start3A_440 : memref<1x40x1024xf32, #tpu.memory_space<vmem>> -> memref<40x1024xf32, #tpu.memory_space<vmem>>
    %dma_start3A_442 = arith.constant 0 : i32
    %dma_start3A_443 = tpu.memref_slice %arg4[%select_n3A, %add3A_436, %dma_start3A_442] : memref<4x4096x1024xf32, #tpu.memory_space<hbm>> -> memref<1x40x1024xf32, #tpu.memory_space<hbm>>
    %dma_start3A_444 = tpu.memref_squeeze %dma_start3A_443 : memref<1x40x1024xf32, #tpu.memory_space<hbm>> -> memref<40x1024xf32, #tpu.memory_space<hbm>>
    %dma_start3A_445 = arith.constant 0 : i32
    %dma_start3A_446 = tpu.memref_slice %arg4[%select_n3A, %add3A_436, %dma_start3A_445] : memref<4x4096x1024xf32, #tpu.memory_space<hbm>> -> memref<1x40x1024xf32, #tpu.memory_space<hbm>>
    %dma_start3A_447 = tpu.memref_squeeze %dma_start3A_446 : memref<1x40x1024xf32, #tpu.memory_space<hbm>> -> memref<40x1024xf32, #tpu.memory_space<hbm>>
    %dma_start3A_448 = arith.constant 0 : i32
    %dma_start3A_449 = arith.constant 0 : i32
    %dma_start3A_450 = tpu.memref_slice %arg6[%dma_start3A_437, %dma_start3A_448, %dma_start3A_449] : memref<3x40x1024xf32, #tpu.memory_space<vmem>> -> memref<1x40x1024xf32, #tpu.memory_space<vmem>>
    %dma_start3A_451 = tpu.memref_squeeze %dma_start3A_450 : memref<1x40x1024xf32, #tpu.memory_space<vmem>> -> memref<40x1024xf32, #tpu.memory_space<vmem>>
    tpu.enqueue_dma source(%dma_start3A_451 : memref<40x1024xf32, #tpu.memory_space<vmem>>) target(%dma_start3A_447 : memref<40x1024xf32, #tpu.memory_space<hbm>>) target_semaphore(%arg11 : memref<!tpu.dma_semaphore, #tpu.memory_space<semaphore_mem>>)
    %dma_wait3A_452 = arith.constant 1 : i32
    %dma_wait3A_453 = arith.constant 0 : i32
    %dma_wait3A_454 = arith.constant 0 : i32
    %dma_wait3A_455 = tpu.memref_slice %arg6[%dma_wait3A_452, %dma_wait3A_453, %dma_wait3A_454] : memref<3x40x1024xf32, #tpu.memory_space<vmem>> -> memref<1x40x1024xf32, #tpu.memory_space<vmem>>
    %dma_wait3A_456 = tpu.memref_squeeze %dma_wait3A_455 : memref<1x40x1024xf32, #tpu.memory_space<vmem>> -> memref<40x1024xf32, #tpu.memory_space<vmem>>
    %dma_wait3A_457 = arith.constant 0 : i32
    %dma_wait3A_458 = tpu.memref_slice %arg4[%select_n3A, %add3A_436, %dma_wait3A_457] : memref<4x4096x1024xf32, #tpu.memory_space<hbm>> -> memref<1x40x1024xf32, #tpu.memory_space<hbm>>
    %dma_wait3A_459 = tpu.memref_squeeze %dma_wait3A_458 : memref<1x40x1024xf32, #tpu.memory_space<hbm>> -> memref<40x1024xf32, #tpu.memory_space<hbm>>
    %dma_wait3A_460 = arith.constant 0 : i32
    %dma_wait3A_461 = tpu.memref_slice %arg4[%select_n3A, %add3A_436, %dma_wait3A_460] : memref<4x4096x1024xf32, #tpu.memory_space<hbm>> -> memref<1x40x1024xf32, #tpu.memory_space<hbm>>
    %dma_wait3A_462 = tpu.memref_squeeze %dma_wait3A_461 : memref<1x40x1024xf32, #tpu.memory_space<hbm>> -> memref<40x1024xf32, #tpu.memory_space<hbm>>
    %dma_wait3A_463 = arith.constant 0 : i32
    %dma_wait3A_464 = arith.constant 0 : i32
    %dma_wait3A_465 = tpu.memref_slice %arg6[%dma_wait3A_452, %dma_wait3A_463, %dma_wait3A_464] : memref<3x40x1024xf32, #tpu.memory_space<vmem>> -> memref<1x40x1024xf32, #tpu.memory_space<vmem>>
    %dma_wait3A_466 = tpu.memref_squeeze %dma_wait3A_465 : memref<1x40x1024xf32, #tpu.memory_space<vmem>> -> memref<40x1024xf32, #tpu.memory_space<vmem>>
    tpu.wait_dma2 semaphore(%arg11 : memref<!tpu.dma_semaphore, #tpu.memory_space<semaphore_mem>>) src(%dma_wait3A_466 : memref<40x1024xf32, #tpu.memory_space<vmem>>) dst(%dma_wait3A_462 : memref<40x1024xf32, #tpu.memory_space<hbm>>)
    %dma_start3A_467 = arith.constant 1 : i32
    %dma_start3A_468 = arith.constant 0 : i32
    %dma_start3A_469 = arith.constant 0 : i32
    %dma_start3A_470 = tpu.memref_slice %arg6[%dma_start3A_467, %dma_start3A_468, %dma_start3A_469] : memref<3x40x1024xf32, #tpu.memory_space<vmem>> -> memref<1x40x1024xf32, #tpu.memory_space<vmem>>
    %dma_start3A_471 = tpu.memref_squeeze %dma_start3A_470 : memref<1x40x1024xf32, #tpu.memory_space<vmem>> -> memref<40x1024xf32, #tpu.memory_space<vmem>>
    %dma_start3A_472 = arith.constant 400 : i32
    %dma_start3A_473 = tpu.memref_slice %arg5[%dma_start3A_472] : memref<512xi32, #tpu.memory_space<vmem>> -> memref<40xi32, #tpu.memory_space<vmem>>
    %dma_start3A_474 = arith.constant 0 : i32
    %dma_start3A_475 = arith.constant 0 : i32
    %dma_start3A_476 = tpu.memref_slice %arg3[%dma_start3A_474, %dma_start3A_475] : memref<100000x1024xf32, #tpu.memory_space<hbm>> -> memref<100000x1024xf32, #tpu.memory_space<hbm>>
    tpu.enqueue_indirect_dma source(%dma_start3A_476 : memref<100000x1024xf32, #tpu.memory_space<hbm>>) target(%dma_start3A_471 : memref<40x1024xf32, #tpu.memory_space<vmem>>) offsets(%dma_start3A_473 : memref<40xi32, #tpu.memory_space<vmem>>) semaphore(%arg8 : memref<!tpu.dma_semaphore, #tpu.memory_space<semaphore_mem>>)
    %dma_wait3A_477 = arith.constant 2 : i32
    %dma_wait3A_478 = arith.constant 0 : i32
    %dma_wait3A_479 = arith.constant 0 : i32
    %dma_wait3A_480 = tpu.memref_slice %arg6[%dma_wait3A_477, %dma_wait3A_478, %dma_wait3A_479] : memref<3x40x1024xf32, #tpu.memory_space<vmem>> -> memref<1x40x1024xf32, #tpu.memory_space<vmem>>
    %dma_wait3A_481 = tpu.memref_squeeze %dma_wait3A_480 : memref<1x40x1024xf32, #tpu.memory_space<vmem>> -> memref<40x1024xf32, #tpu.memory_space<vmem>>
    %dma_wait3A_482 = arith.constant 320 : i32
    %dma_wait3A_483 = tpu.memref_slice %arg5[%dma_wait3A_482] : memref<512xi32, #tpu.memory_space<vmem>> -> memref<40xi32, #tpu.memory_space<vmem>>
    %dma_wait3A_484 = arith.constant 0 : i32
    %dma_wait3A_485 = arith.constant 0 : i32
    %dma_wait3A_486 = tpu.memref_slice %arg3[%dma_wait3A_484, %dma_wait3A_485] : memref<100000x1024xf32, #tpu.memory_space<hbm>> -> memref<100000x1024xf32, #tpu.memory_space<hbm>>
    tpu.wait_indirect_dma semaphore(%arg9 : memref<!tpu.dma_semaphore, #tpu.memory_space<semaphore_mem>>) src(%dma_wait3A_486 : memref<100000x1024xf32, #tpu.memory_space<hbm>>) dst(%dma_wait3A_481 : memref<40x1024xf32, #tpu.memory_space<vmem>>)
    %add3A_487 = arith.constant 320 : i32
    %add3A_488 = arith.addi %mul3A_32, %add3A_487 : i32
    %dma_start3A_489 = arith.constant 2 : i32
    %dma_start3A_490 = arith.constant 0 : i32
    %dma_start3A_491 = arith.constant 0 : i32
    %dma_start3A_492 = tpu.memref_slice %arg6[%dma_start3A_489, %dma_start3A_490, %dma_start3A_491] : memref<3x40x1024xf32, #tpu.memory_space<vmem>> -> memref<1x40x1024xf32, #tpu.memory_space<vmem>>
    %dma_start3A_493 = tpu.memref_squeeze %dma_start3A_492 : memref<1x40x1024xf32, #tpu.memory_space<vmem>> -> memref<40x1024xf32, #tpu.memory_space<vmem>>
    %dma_start3A_494 = arith.constant 0 : i32
    %dma_start3A_495 = tpu.memref_slice %arg4[%select_n3A, %add3A_488, %dma_start3A_494] : memref<4x4096x1024xf32, #tpu.memory_space<hbm>> -> memref<1x40x1024xf32, #tpu.memory_space<hbm>>
    %dma_start3A_496 = tpu.memref_squeeze %dma_start3A_495 : memref<1x40x1024xf32, #tpu.memory_space<hbm>> -> memref<40x1024xf32, #tpu.memory_space<hbm>>
    %dma_start3A_497 = arith.constant 0 : i32
    %dma_start3A_498 = tpu.memref_slice %arg4[%select_n3A, %add3A_488, %dma_start3A_497] : memref<4x4096x1024xf32, #tpu.memory_space<hbm>> -> memref<1x40x1024xf32, #tpu.memory_space<hbm>>
    %dma_start3A_499 = tpu.memref_squeeze %dma_start3A_498 : memref<1x40x1024xf32, #tpu.memory_space<hbm>> -> memref<40x1024xf32, #tpu.memory_space<hbm>>
    %dma_start3A_500 = arith.constant 0 : i32
    %dma_start3A_501 = arith.constant 0 : i32
    %dma_start3A_502 = tpu.memref_slice %arg6[%dma_start3A_489, %dma_start3A_500, %dma_start3A_501] : memref<3x40x1024xf32, #tpu.memory_space<vmem>> -> memref<1x40x1024xf32, #tpu.memory_space<vmem>>
    %dma_start3A_503 = tpu.memref_squeeze %dma_start3A_502 : memref<1x40x1024xf32, #tpu.memory_space<vmem>> -> memref<40x1024xf32, #tpu.memory_space<vmem>>
    tpu.enqueue_dma source(%dma_start3A_503 : memref<40x1024xf32, #tpu.memory_space<vmem>>) target(%dma_start3A_499 : memref<40x1024xf32, #tpu.memory_space<hbm>>) target_semaphore(%arg12 : memref<!tpu.dma_semaphore, #tpu.memory_space<semaphore_mem>>)
    %dma_wait3A_504 = arith.constant 2 : i32
    %dma_wait3A_505 = arith.constant 0 : i32
    %dma_wait3A_506 = arith.constant 0 : i32
    %dma_wait3A_507 = tpu.memref_slice %arg6[%dma_wait3A_504, %dma_wait3A_505, %dma_wait3A_506] : memref<3x40x1024xf32, #tpu.memory_space<vmem>> -> memref<1x40x1024xf32, #tpu.memory_space<vmem>>
    %dma_wait3A_508 = tpu.memref_squeeze %dma_wait3A_507 : memref<1x40x1024xf32, #tpu.memory_space<vmem>> -> memref<40x1024xf32, #tpu.memory_space<vmem>>
    %dma_wait3A_509 = arith.constant 0 : i32
    %dma_wait3A_510 = tpu.memref_slice %arg4[%select_n3A, %add3A_488, %dma_wait3A_509] : memref<4x4096x1024xf32, #tpu.memory_space<hbm>> -> memref<1x40x1024xf32, #tpu.memory_space<hbm>>
    %dma_wait3A_511 = tpu.memref_squeeze %dma_wait3A_510 : memref<1x40x1024xf32, #tpu.memory_space<hbm>> -> memref<40x1024xf32, #tpu.memory_space<hbm>>
    %dma_wait3A_512 = arith.constant 0 : i32
    %dma_wait3A_513 = tpu.memref_slice %arg4[%select_n3A, %add3A_488, %dma_wait3A_512] : memref<4x4096x1024xf32, #tpu.memory_space<hbm>> -> memref<1x40x1024xf32, #tpu.memory_space<hbm>>
    %dma_wait3A_514 = tpu.memref_squeeze %dma_wait3A_513 : memref<1x40x1024xf32, #tpu.memory_space<hbm>> -> memref<40x1024xf32, #tpu.memory_space<hbm>>
    %dma_wait3A_515 = arith.constant 0 : i32
    %dma_wait3A_516 = arith.constant 0 : i32
    %dma_wait3A_517 = tpu.memref_slice %arg6[%dma_wait3A_504, %dma_wait3A_515, %dma_wait3A_516] : memref<3x40x1024xf32, #tpu.memory_space<vmem>> -> memref<1x40x1024xf32, #tpu.memory_space<vmem>>
    %dma_wait3A_518 = tpu.memref_squeeze %dma_wait3A_517 : memref<1x40x1024xf32, #tpu.memory_space<vmem>> -> memref<40x1024xf32, #tpu.memory_space<vmem>>
    tpu.wait_dma2 semaphore(%arg12 : memref<!tpu.dma_semaphore, #tpu.memory_space<semaphore_mem>>) src(%dma_wait3A_518 : memref<40x1024xf32, #tpu.memory_space<vmem>>) dst(%dma_wait3A_514 : memref<40x1024xf32, #tpu.memory_space<hbm>>)
    %dma_start3A_519 = arith.constant 2 : i32
    %dma_start3A_520 = arith.constant 0 : i32
    %dma_start3A_521 = arith.constant 0 : i32
    %dma_start3A_522 = tpu.memref_slice %arg6[%dma_start3A_519, %dma_start3A_520, %dma_start3A_521] : memref<3x40x1024xf32, #tpu.memory_space<vmem>> -> memref<1x40x1024xf32, #tpu.memory_space<vmem>>
    %dma_start3A_523 = tpu.memref_squeeze %dma_start3A_522 : memref<1x40x1024xf32, #tpu.memory_space<vmem>> -> memref<40x1024xf32, #tpu.memory_space<vmem>>
    %dma_start3A_524 = arith.constant 440 : i32
    %dma_start3A_525 = tpu.memref_slice %arg5[%dma_start3A_524] : memref<512xi32, #tpu.memory_space<vmem>> -> memref<40xi32, #tpu.memory_space<vmem>>
    %dma_start3A_526 = arith.constant 0 : i32
    %dma_start3A_527 = arith.constant 0 : i32
    %dma_start3A_528 = tpu.memref_slice %arg3[%dma_start3A_526, %dma_start3A_527] : memref<100000x1024xf32, #tpu.memory_space<hbm>> -> memref<100000x1024xf32, #tpu.memory_space<hbm>>
    tpu.enqueue_indirect_dma source(%dma_start3A_528 : memref<100000x1024xf32, #tpu.memory_space<hbm>>) target(%dma_start3A_523 : memref<40x1024xf32, #tpu.memory_space<vmem>>) offsets(%dma_start3A_525 : memref<40xi32, #tpu.memory_space<vmem>>) semaphore(%arg9 : memref<!tpu.dma_semaphore, #tpu.memory_space<semaphore_mem>>)
    %dma_wait3A_529 = arith.constant 0 : i32
    %dma_wait3A_530 = arith.constant 0 : i32
    %dma_wait3A_531 = arith.constant 0 : i32
    %dma_wait3A_532 = tpu.memref_slice %arg6[%dma_wait3A_529, %dma_wait3A_530, %dma_wait3A_531] : memref<3x40x1024xf32, #tpu.memory_space<vmem>> -> memref<1x40x1024xf32, #tpu.memory_space<vmem>>
    %dma_wait3A_533 = tpu.memref_squeeze %dma_wait3A_532 : memref<1x40x1024xf32, #tpu.memory_space<vmem>> -> memref<40x1024xf32, #tpu.memory_space<vmem>>
    %dma_wait3A_534 = arith.constant 360 : i32
    %dma_wait3A_535 = tpu.memref_slice %arg5[%dma_wait3A_534] : memref<512xi32, #tpu.memory_space<vmem>> -> memref<40xi32, #tpu.memory_space<vmem>>
    %dma_wait3A_536 = arith.constant 0 : i32
    %dma_wait3A_537 = arith.constant 0 : i32
    %dma_wait3A_538 = tpu.memref_slice %arg3[%dma_wait3A_536, %dma_wait3A_537] : memref<100000x1024xf32, #tpu.memory_space<hbm>> -> memref<100000x1024xf32, #tpu.memory_space<hbm>>
    tpu.wait_indirect_dma semaphore(%arg7 : memref<!tpu.dma_semaphore, #tpu.memory_space<semaphore_mem>>) src(%dma_wait3A_538 : memref<100000x1024xf32, #tpu.memory_space<hbm>>) dst(%dma_wait3A_533 : memref<40x1024xf32, #tpu.memory_space<vmem>>)
    %add3A_539 = arith.constant 360 : i32
    %add3A_540 = arith.addi %mul3A_32, %add3A_539 : i32
    %dma_start3A_541 = arith.constant 0 : i32
    %dma_start3A_542 = arith.constant 0 : i32
    %dma_start3A_543 = arith.constant 0 : i32
    %dma_start3A_544 = tpu.memref_slice %arg6[%dma_start3A_541, %dma_start3A_542, %dma_start3A_543] : memref<3x40x1024xf32, #tpu.memory_space<vmem>> -> memref<1x40x1024xf32, #tpu.memory_space<vmem>>
    %dma_start3A_545 = tpu.memref_squeeze %dma_start3A_544 : memref<1x40x1024xf32, #tpu.memory_space<vmem>> -> memref<40x1024xf32, #tpu.memory_space<vmem>>
    %dma_start3A_546 = arith.constant 0 : i32
    %dma_start3A_547 = tpu.memref_slice %arg4[%select_n3A, %add3A_540, %dma_start3A_546] : memref<4x4096x1024xf32, #tpu.memory_space<hbm>> -> memref<1x40x1024xf32, #tpu.memory_space<hbm>>
    %dma_start3A_548 = tpu.memref_squeeze %dma_start3A_547 : memref<1x40x1024xf32, #tpu.memory_space<hbm>> -> memref<40x1024xf32, #tpu.memory_space<hbm>>
    %dma_start3A_549 = arith.constant 0 : i32
    %dma_start3A_550 = tpu.memref_slice %arg4[%select_n3A, %add3A_540, %dma_start3A_549] : memref<4x4096x1024xf32, #tpu.memory_space<hbm>> -> memref<1x40x1024xf32, #tpu.memory_space<hbm>>
    %dma_start3A_551 = tpu.memref_squeeze %dma_start3A_550 : memref<1x40x1024xf32, #tpu.memory_space<hbm>> -> memref<40x1024xf32, #tpu.memory_space<hbm>>
    %dma_start3A_552 = arith.constant 0 : i32
    %dma_start3A_553 = arith.constant 0 : i32
    %dma_start3A_554 = tpu.memref_slice %arg6[%dma_start3A_541, %dma_start3A_552, %dma_start3A_553] : memref<3x40x1024xf32, #tpu.memory_space<vmem>> -> memref<1x40x1024xf32, #tpu.memory_space<vmem>>
    %dma_start3A_555 = tpu.memref_squeeze %dma_start3A_554 : memref<1x40x1024xf32, #tpu.memory_space<vmem>> -> memref<40x1024xf32, #tpu.memory_space<vmem>>
    tpu.enqueue_dma source(%dma_start3A_555 : memref<40x1024xf32, #tpu.memory_space<vmem>>) target(%dma_start3A_551 : memref<40x1024xf32, #tpu.memory_space<hbm>>) target_semaphore(%arg10 : memref<!tpu.dma_semaphore, #tpu.memory_space<semaphore_mem>>)
    %dma_wait3A_556 = arith.constant 0 : i32
    %dma_wait3A_557 = arith.constant 0 : i32
    %dma_wait3A_558 = arith.constant 0 : i32
    %dma_wait3A_559 = tpu.memref_slice %arg6[%dma_wait3A_556, %dma_wait3A_557, %dma_wait3A_558] : memref<3x40x1024xf32, #tpu.memory_space<vmem>> -> memref<1x40x1024xf32, #tpu.memory_space<vmem>>
    %dma_wait3A_560 = tpu.memref_squeeze %dma_wait3A_559 : memref<1x40x1024xf32, #tpu.memory_space<vmem>> -> memref<40x1024xf32, #tpu.memory_space<vmem>>
    %dma_wait3A_561 = arith.constant 0 : i32
    %dma_wait3A_562 = tpu.memref_slice %arg4[%select_n3A, %add3A_540, %dma_wait3A_561] : memref<4x4096x1024xf32, #tpu.memory_space<hbm>> -> memref<1x40x1024xf32, #tpu.memory_space<hbm>>
    %dma_wait3A_563 = tpu.memref_squeeze %dma_wait3A_562 : memref<1x40x1024xf32, #tpu.memory_space<hbm>> -> memref<40x1024xf32, #tpu.memory_space<hbm>>
    %dma_wait3A_564 = arith.constant 0 : i32
    %dma_wait3A_565 = tpu.memref_slice %arg4[%select_n3A, %add3A_540, %dma_wait3A_564] : memref<4x4096x1024xf32, #tpu.memory_space<hbm>> -> memref<1x40x1024xf32, #tpu.memory_space<hbm>>
    %dma_wait3A_566 = tpu.memref_squeeze %dma_wait3A_565 : memref<1x40x1024xf32, #tpu.memory_space<hbm>> -> memref<40x1024xf32, #tpu.memory_space<hbm>>
    %dma_wait3A_567 = arith.constant 0 : i32
    %dma_wait3A_568 = arith.constant 0 : i32
    %dma_wait3A_569 = tpu.memref_slice %arg6[%dma_wait3A_556, %dma_wait3A_567, %dma_wait3A_568] : memref<3x40x1024xf32, #tpu.memory_space<vmem>> -> memref<1x40x1024xf32, #tpu.memory_space<vmem>>
    %dma_wait3A_570 = tpu.memref_squeeze %dma_wait3A_569 : memref<1x40x1024xf32, #tpu.memory_space<vmem>> -> memref<40x1024xf32, #tpu.memory_space<vmem>>
    tpu.wait_dma2 semaphore(%arg10 : memref<!tpu.dma_semaphore, #tpu.memory_space<semaphore_mem>>) src(%dma_wait3A_570 : memref<40x1024xf32, #tpu.memory_space<vmem>>) dst(%dma_wait3A_566 : memref<40x1024xf32, #tpu.memory_space<hbm>>)
    %dma_start3A_571 = arith.constant 0 : i32
    %dma_start3A_572 = arith.constant 0 : i32
    %dma_start3A_573 = arith.constant 0 : i32
    %dma_start3A_574 = tpu.memref_slice %arg6[%dma_start3A_571, %dma_start3A_572, %dma_start3A_573] : memref<3x40x1024xf32, #tpu.memory_space<vmem>> -> memref<1x32x1024xf32, #tpu.memory_space<vmem>>
    %dma_start3A_575 = tpu.memref_squeeze %dma_start3A_574 : memref<1x32x1024xf32, #tpu.memory_space<vmem>> -> memref<32x1024xf32, #tpu.memory_space<vmem>>
    %dma_start3A_576 = arith.constant 480 : i32
    %dma_start3A_577 = tpu.memref_slice %arg5[%dma_start3A_576] : memref<512xi32, #tpu.memory_space<vmem>> -> memref<32xi32, #tpu.memory_space<vmem>>
    %dma_start3A_578 = arith.constant 0 : i32
    %dma_start3A_579 = arith.constant 0 : i32
    %dma_start3A_580 = tpu.memref_slice %arg3[%dma_start3A_578, %dma_start3A_579] : memref<100000x1024xf32, #tpu.memory_space<hbm>> -> memref<100000x1024xf32, #tpu.memory_space<hbm>>
    tpu.enqueue_indirect_dma source(%dma_start3A_580 : memref<100000x1024xf32, #tpu.memory_space<hbm>>) target(%dma_start3A_575 : memref<32x1024xf32, #tpu.memory_space<vmem>>) offsets(%dma_start3A_577 : memref<32xi32, #tpu.memory_space<vmem>>) semaphore(%arg7 : memref<!tpu.dma_semaphore, #tpu.memory_space<semaphore_mem>>)
    %dma_wait3A_581 = arith.constant 1 : i32
    %dma_wait3A_582 = arith.constant 0 : i32
    %dma_wait3A_583 = arith.constant 0 : i32
    %dma_wait3A_584 = tpu.memref_slice %arg6[%dma_wait3A_581, %dma_wait3A_582, %dma_wait3A_583] : memref<3x40x1024xf32, #tpu.memory_space<vmem>> -> memref<1x40x1024xf32, #tpu.memory_space<vmem>>
    %dma_wait3A_585 = tpu.memref_squeeze %dma_wait3A_584 : memref<1x40x1024xf32, #tpu.memory_space<vmem>> -> memref<40x1024xf32, #tpu.memory_space<vmem>>
    %dma_wait3A_586 = arith.constant 400 : i32
    %dma_wait3A_587 = tpu.memref_slice %arg5[%dma_wait3A_586] : memref<512xi32, #tpu.memory_space<vmem>> -> memref<40xi32, #tpu.memory_space<vmem>>
    %dma_wait3A_588 = arith.constant 0 : i32
    %dma_wait3A_589 = arith.constant 0 : i32
    %dma_wait3A_590 = tpu.memref_slice %arg3[%dma_wait3A_588, %dma_wait3A_589] : memref<100000x1024xf32, #tpu.memory_space<hbm>> -> memref<100000x1024xf32, #tpu.memory_space<hbm>>
    tpu.wait_indirect_dma semaphore(%arg8 : memref<!tpu.dma_semaphore, #tpu.memory_space<semaphore_mem>>) src(%dma_wait3A_590 : memref<100000x1024xf32, #tpu.memory_space<hbm>>) dst(%dma_wait3A_585 : memref<40x1024xf32, #tpu.memory_space<vmem>>)
    %add3A_591 = arith.constant 400 : i32
    %add3A_592 = arith.addi %mul3A_32, %add3A_591 : i32
    %dma_start3A_593 = arith.constant 1 : i32
    %dma_start3A_594 = arith.constant 0 : i32
    %dma_start3A_595 = arith.constant 0 : i32
    %dma_start3A_596 = tpu.memref_slice %arg6[%dma_start3A_593, %dma_start3A_594, %dma_start3A_595] : memref<3x40x1024xf32, #tpu.memory_space<vmem>> -> memref<1x40x1024xf32, #tpu.memory_space<vmem>>
    %dma_start3A_597 = tpu.memref_squeeze %dma_start3A_596 : memref<1x40x1024xf32, #tpu.memory_space<vmem>> -> memref<40x1024xf32, #tpu.memory_space<vmem>>
    %dma_start3A_598 = arith.constant 0 : i32
    %dma_start3A_599 = tpu.memref_slice %arg4[%select_n3A, %add3A_592, %dma_start3A_598] : memref<4x4096x1024xf32, #tpu.memory_space<hbm>> -> memref<1x40x1024xf32, #tpu.memory_space<hbm>>
    %dma_start3A_600 = tpu.memref_squeeze %dma_start3A_599 : memref<1x40x1024xf32, #tpu.memory_space<hbm>> -> memref<40x1024xf32, #tpu.memory_space<hbm>>
    %dma_start3A_601 = arith.constant 0 : i32
    %dma_start3A_602 = tpu.memref_slice %arg4[%select_n3A, %add3A_592, %dma_start3A_601] : memref<4x4096x1024xf32, #tpu.memory_space<hbm>> -> memref<1x40x1024xf32, #tpu.memory_space<hbm>>
    %dma_start3A_603 = tpu.memref_squeeze %dma_start3A_602 : memref<1x40x1024xf32, #tpu.memory_space<hbm>> -> memref<40x1024xf32, #tpu.memory_space<hbm>>
    %dma_start3A_604 = arith.constant 0 : i32
    %dma_start3A_605 = arith.constant 0 : i32
    %dma_start3A_606 = tpu.memref_slice %arg6[%dma_start3A_593, %dma_start3A_604, %dma_start3A_605] : memref<3x40x1024xf32, #tpu.memory_space<vmem>> -> memref<1x40x1024xf32, #tpu.memory_space<vmem>>
    %dma_start3A_607 = tpu.memref_squeeze %dma_start3A_606 : memref<1x40x1024xf32, #tpu.memory_space<vmem>> -> memref<40x1024xf32, #tpu.memory_space<vmem>>
    tpu.enqueue_dma source(%dma_start3A_607 : memref<40x1024xf32, #tpu.memory_space<vmem>>) target(%dma_start3A_603 : memref<40x1024xf32, #tpu.memory_space<hbm>>) target_semaphore(%arg11 : memref<!tpu.dma_semaphore, #tpu.memory_space<semaphore_mem>>)
    %dma_wait3A_608 = arith.constant 2 : i32
    %dma_wait3A_609 = arith.constant 0 : i32
    %dma_wait3A_610 = arith.constant 0 : i32
    %dma_wait3A_611 = tpu.memref_slice %arg6[%dma_wait3A_608, %dma_wait3A_609, %dma_wait3A_610] : memref<3x40x1024xf32, #tpu.memory_space<vmem>> -> memref<1x40x1024xf32, #tpu.memory_space<vmem>>
    %dma_wait3A_612 = tpu.memref_squeeze %dma_wait3A_611 : memref<1x40x1024xf32, #tpu.memory_space<vmem>> -> memref<40x1024xf32, #tpu.memory_space<vmem>>
    %dma_wait3A_613 = arith.constant 440 : i32
    %dma_wait3A_614 = tpu.memref_slice %arg5[%dma_wait3A_613] : memref<512xi32, #tpu.memory_space<vmem>> -> memref<40xi32, #tpu.memory_space<vmem>>
    %dma_wait3A_615 = arith.constant 0 : i32
    %dma_wait3A_616 = arith.constant 0 : i32
    %dma_wait3A_617 = tpu.memref_slice %arg3[%dma_wait3A_615, %dma_wait3A_616] : memref<100000x1024xf32, #tpu.memory_space<hbm>> -> memref<100000x1024xf32, #tpu.memory_space<hbm>>
    tpu.wait_indirect_dma semaphore(%arg9 : memref<!tpu.dma_semaphore, #tpu.memory_space<semaphore_mem>>) src(%dma_wait3A_617 : memref<100000x1024xf32, #tpu.memory_space<hbm>>) dst(%dma_wait3A_612 : memref<40x1024xf32, #tpu.memory_space<vmem>>)
    %add3A_618 = arith.constant 440 : i32
    %add3A_619 = arith.addi %mul3A_32, %add3A_618 : i32
    %dma_start3A_620 = arith.constant 2 : i32
    %dma_start3A_621 = arith.constant 0 : i32
    %dma_start3A_622 = arith.constant 0 : i32
    %dma_start3A_623 = tpu.memref_slice %arg6[%dma_start3A_620, %dma_start3A_621, %dma_start3A_622] : memref<3x40x1024xf32, #tpu.memory_space<vmem>> -> memref<1x40x1024xf32, #tpu.memory_space<vmem>>
    %dma_start3A_624 = tpu.memref_squeeze %dma_start3A_623 : memref<1x40x1024xf32, #tpu.memory_space<vmem>> -> memref<40x1024xf32, #tpu.memory_space<vmem>>
    %dma_start3A_625 = arith.constant 0 : i32
    %dma_start3A_626 = tpu.memref_slice %arg4[%select_n3A, %add3A_619, %dma_start3A_625] : memref<4x4096x1024xf32, #tpu.memory_space<hbm>> -> memref<1x40x1024xf32, #tpu.memory_space<hbm>>
    %dma_start3A_627 = tpu.memref_squeeze %dma_start3A_626 : memref<1x40x1024xf32, #tpu.memory_space<hbm>> -> memref<40x1024xf32, #tpu.memory_space<hbm>>
    %dma_start3A_628 = arith.constant 0 : i32
    %dma_start3A_629 = tpu.memref_slice %arg4[%select_n3A, %add3A_619, %dma_start3A_628] : memref<4x4096x1024xf32, #tpu.memory_space<hbm>> -> memref<1x40x1024xf32, #tpu.memory_space<hbm>>
    %dma_start3A_630 = tpu.memref_squeeze %dma_start3A_629 : memref<1x40x1024xf32, #tpu.memory_space<hbm>> -> memref<40x1024xf32, #tpu.memory_space<hbm>>
    %dma_start3A_631 = arith.constant 0 : i32
    %dma_start3A_632 = arith.constant 0 : i32
    %dma_start3A_633 = tpu.memref_slice %arg6[%dma_start3A_620, %dma_start3A_631, %dma_start3A_632] : memref<3x40x1024xf32, #tpu.memory_space<vmem>> -> memref<1x40x1024xf32, #tpu.memory_space<vmem>>
    %dma_start3A_634 = tpu.memref_squeeze %dma_start3A_633 : memref<1x40x1024xf32, #tpu.memory_space<vmem>> -> memref<40x1024xf32, #tpu.memory_space<vmem>>
    tpu.enqueue_dma source(%dma_start3A_634 : memref<40x1024xf32, #tpu.memory_space<vmem>>) target(%dma_start3A_630 : memref<40x1024xf32, #tpu.memory_space<hbm>>) target_semaphore(%arg12 : memref<!tpu.dma_semaphore, #tpu.memory_space<semaphore_mem>>)
    %dma_wait3A_635 = arith.constant 0 : i32
    %dma_wait3A_636 = arith.constant 0 : i32
    %dma_wait3A_637 = arith.constant 0 : i32
    %dma_wait3A_638 = tpu.memref_slice %arg6[%dma_wait3A_635, %dma_wait3A_636, %dma_wait3A_637] : memref<3x40x1024xf32, #tpu.memory_space<vmem>> -> memref<1x32x1024xf32, #tpu.memory_space<vmem>>
    %dma_wait3A_639 = tpu.memref_squeeze %dma_wait3A_638 : memref<1x32x1024xf32, #tpu.memory_space<vmem>> -> memref<32x1024xf32, #tpu.memory_space<vmem>>
    %dma_wait3A_640 = arith.constant 480 : i32
    %dma_wait3A_641 = tpu.memref_slice %arg5[%dma_wait3A_640] : memref<512xi32, #tpu.memory_space<vmem>> -> memref<32xi32, #tpu.memory_space<vmem>>
    %dma_wait3A_642 = arith.constant 0 : i32
    %dma_wait3A_643 = arith.constant 0 : i32
    %dma_wait3A_644 = tpu.memref_slice %arg3[%dma_wait3A_642, %dma_wait3A_643] : memref<100000x1024xf32, #tpu.memory_space<hbm>> -> memref<100000x1024xf32, #tpu.memory_space<hbm>>
    tpu.wait_indirect_dma semaphore(%arg7 : memref<!tpu.dma_semaphore, #tpu.memory_space<semaphore_mem>>) src(%dma_wait3A_644 : memref<100000x1024xf32, #tpu.memory_space<hbm>>) dst(%dma_wait3A_639 : memref<32x1024xf32, #tpu.memory_space<vmem>>)
    %add3A_645 = arith.constant 480 : i32
    %add3A_646 = arith.addi %mul3A_32, %add3A_645 : i32
    %dma_start3A_647 = arith.constant 0 : i32
    %dma_start3A_648 = arith.constant 0 : i32
    %dma_start3A_649 = arith.constant 0 : i32
    %dma_start3A_650 = tpu.memref_slice %arg6[%dma_start3A_647, %dma_start3A_648, %dma_start3A_649] : memref<3x40x1024xf32, #tpu.memory_space<vmem>> -> memref<1x32x1024xf32, #tpu.memory_space<vmem>>
    %dma_start3A_651 = tpu.memref_squeeze %dma_start3A_650 : memref<1x32x1024xf32, #tpu.memory_space<vmem>> -> memref<32x1024xf32, #tpu.memory_space<vmem>>
    %dma_start3A_652 = arith.constant 0 : i32
    %dma_start3A_653 = tpu.memref_slice %arg4[%select_n3A, %add3A_646, %dma_start3A_652] : memref<4x4096x1024xf32, #tpu.memory_space<hbm>> -> memref<1x32x1024xf32, #tpu.memory_space<hbm>>
    %dma_start3A_654 = tpu.memref_squeeze %dma_start3A_653 : memref<1x32x1024xf32, #tpu.memory_space<hbm>> -> memref<32x1024xf32, #tpu.memory_space<hbm>>
    %dma_start3A_655 = arith.constant 0 : i32
    %dma_start3A_656 = tpu.memref_slice %arg4[%select_n3A, %add3A_646, %dma_start3A_655] : memref<4x4096x1024xf32, #tpu.memory_space<hbm>> -> memref<1x32x1024xf32, #tpu.memory_space<hbm>>
    %dma_start3A_657 = tpu.memref_squeeze %dma_start3A_656 : memref<1x32x1024xf32, #tpu.memory_space<hbm>> -> memref<32x1024xf32, #tpu.memory_space<hbm>>
    %dma_start3A_658 = arith.constant 0 : i32
    %dma_start3A_659 = arith.constant 0 : i32
    %dma_start3A_660 = tpu.memref_slice %arg6[%dma_start3A_647, %dma_start3A_658, %dma_start3A_659] : memref<3x40x1024xf32, #tpu.memory_space<vmem>> -> memref<1x32x1024xf32, #tpu.memory_space<vmem>>
    %dma_start3A_661 = tpu.memref_squeeze %dma_start3A_660 : memref<1x32x1024xf32, #tpu.memory_space<vmem>> -> memref<32x1024xf32, #tpu.memory_space<vmem>>
    tpu.enqueue_dma source(%dma_start3A_661 : memref<32x1024xf32, #tpu.memory_space<vmem>>) target(%dma_start3A_657 : memref<32x1024xf32, #tpu.memory_space<hbm>>) target_semaphore(%arg10 : memref<!tpu.dma_semaphore, #tpu.memory_space<semaphore_mem>>)
    %dma_wait3A_662 = arith.constant 0 : i32
    %dma_wait3A_663 = arith.constant 0 : i32
    %dma_wait3A_664 = arith.constant 0 : i32
    %dma_wait3A_665 = tpu.memref_slice %arg6[%dma_wait3A_662, %dma_wait3A_663, %dma_wait3A_664] : memref<3x40x1024xf32, #tpu.memory_space<vmem>> -> memref<1x32x1024xf32, #tpu.memory_space<vmem>>
    %dma_wait3A_666 = tpu.memref_squeeze %dma_wait3A_665 : memref<1x32x1024xf32, #tpu.memory_space<vmem>> -> memref<32x1024xf32, #tpu.memory_space<vmem>>
    %dma_wait3A_667 = arith.constant 0 : i32
    %dma_wait3A_668 = tpu.memref_slice %arg4[%select_n3A, %add3A_646, %dma_wait3A_667] : memref<4x4096x1024xf32, #tpu.memory_space<hbm>> -> memref<1x32x1024xf32, #tpu.memory_space<hbm>>
    %dma_wait3A_669 = tpu.memref_squeeze %dma_wait3A_668 : memref<1x32x1024xf32, #tpu.memory_space<hbm>> -> memref<32x1024xf32, #tpu.memory_space<hbm>>
    %dma_wait3A_670 = arith.constant 0 : i32
    %dma_wait3A_671 = tpu.memref_slice %arg4[%select_n3A, %add3A_646, %dma_wait3A_670] : memref<4x4096x1024xf32, #tpu.memory_space<hbm>> -> memref<1x32x1024xf32, #tpu.memory_space<hbm>>
    %dma_wait3A_672 = tpu.memref_squeeze %dma_wait3A_671 : memref<1x32x1024xf32, #tpu.memory_space<hbm>> -> memref<32x1024xf32, #tpu.memory_space<hbm>>
    %dma_wait3A_673 = arith.constant 0 : i32
    %dma_wait3A_674 = arith.constant 0 : i32
    %dma_wait3A_675 = tpu.memref_slice %arg6[%dma_wait3A_662, %dma_wait3A_673, %dma_wait3A_674] : memref<3x40x1024xf32, #tpu.memory_space<vmem>> -> memref<1x32x1024xf32, #tpu.memory_space<vmem>>
    %dma_wait3A_676 = tpu.memref_squeeze %dma_wait3A_675 : memref<1x32x1024xf32, #tpu.memory_space<vmem>> -> memref<32x1024xf32, #tpu.memory_space<vmem>>
    tpu.wait_dma2 semaphore(%arg10 : memref<!tpu.dma_semaphore, #tpu.memory_space<semaphore_mem>>) src(%dma_wait3A_676 : memref<32x1024xf32, #tpu.memory_space<vmem>>) dst(%dma_wait3A_672 : memref<32x1024xf32, #tpu.memory_space<hbm>>)
    %dma_wait3A_677 = arith.constant 1 : i32
    %dma_wait3A_678 = arith.constant 0 : i32
    %dma_wait3A_679 = arith.constant 0 : i32
    %dma_wait3A_680 = tpu.memref_slice %arg6[%dma_wait3A_677, %dma_wait3A_678, %dma_wait3A_679] : memref<3x40x1024xf32, #tpu.memory_space<vmem>> -> memref<1x40x1024xf32, #tpu.memory_space<vmem>>
    %dma_wait3A_681 = tpu.memref_squeeze %dma_wait3A_680 : memref<1x40x1024xf32, #tpu.memory_space<vmem>> -> memref<40x1024xf32, #tpu.memory_space<vmem>>
    %dma_wait3A_682 = arith.constant 0 : i32
    %dma_wait3A_683 = tpu.memref_slice %arg4[%select_n3A, %add3A_592, %dma_wait3A_682] : memref<4x4096x1024xf32, #tpu.memory_space<hbm>> -> memref<1x40x1024xf32, #tpu.memory_space<hbm>>
    %dma_wait3A_684 = tpu.memref_squeeze %dma_wait3A_683 : memref<1x40x1024xf32, #tpu.memory_space<hbm>> -> memref<40x1024xf32, #tpu.memory_space<hbm>>
    %dma_wait3A_685 = arith.constant 0 : i32
    %dma_wait3A_686 = tpu.memref_slice %arg4[%select_n3A, %add3A_592, %dma_wait3A_685] : memref<4x4096x1024xf32, #tpu.memory_space<hbm>> -> memref<1x40x1024xf32, #tpu.memory_space<hbm>>
    %dma_wait3A_687 = tpu.memref_squeeze %dma_wait3A_686 : memref<1x40x1024xf32, #tpu.memory_space<hbm>> -> memref<40x1024xf32, #tpu.memory_space<hbm>>
    %dma_wait3A_688 = arith.constant 0 : i32
    %dma_wait3A_689 = arith.constant 0 : i32
    %dma_wait3A_690 = tpu.memref_slice %arg6[%dma_wait3A_677, %dma_wait3A_688, %dma_wait3A_689] : memref<3x40x1024xf32, #tpu.memory_space<vmem>> -> memref<1x40x1024xf32, #tpu.memory_space<vmem>>
    %dma_wait3A_691 = tpu.memref_squeeze %dma_wait3A_690 : memref<1x40x1024xf32, #tpu.memory_space<vmem>> -> memref<40x1024xf32, #tpu.memory_space<vmem>>
    tpu.wait_dma2 semaphore(%arg11 : memref<!tpu.dma_semaphore, #tpu.memory_space<semaphore_mem>>) src(%dma_wait3A_691 : memref<40x1024xf32, #tpu.memory_space<vmem>>) dst(%dma_wait3A_687 : memref<40x1024xf32, #tpu.memory_space<hbm>>)
    %dma_wait3A_692 = arith.constant 2 : i32
    %dma_wait3A_693 = arith.constant 0 : i32
    %dma_wait3A_694 = arith.constant 0 : i32
    %dma_wait3A_695 = tpu.memref_slice %arg6[%dma_wait3A_692, %dma_wait3A_693, %dma_wait3A_694] : memref<3x40x1024xf32, #tpu.memory_space<vmem>> -> memref<1x40x1024xf32, #tpu.memory_space<vmem>>
    %dma_wait3A_696 = tpu.memref_squeeze %dma_wait3A_695 : memref<1x40x1024xf32, #tpu.memory_space<vmem>> -> memref<40x1024xf32, #tpu.memory_space<vmem>>
    %dma_wait3A_697 = arith.constant 0 : i32
    %dma_wait3A_698 = tpu.memref_slice %arg4[%select_n3A, %add3A_619, %dma_wait3A_697] : memref<4x4096x1024xf32, #tpu.memory_space<hbm>> -> memref<1x40x1024xf32, #tpu.memory_space<hbm>>
    %dma_wait3A_699 = tpu.memref_squeeze %dma_wait3A_698 : memref<1x40x1024xf32, #tpu.memory_space<hbm>> -> memref<40x1024xf32, #tpu.memory_space<hbm>>
    %dma_wait3A_700 = arith.constant 0 : i32
    %dma_wait3A_701 = tpu.memref_slice %arg4[%select_n3A, %add3A_619, %dma_wait3A_700] : memref<4x4096x1024xf32, #tpu.memory_space<hbm>> -> memref<1x40x1024xf32, #tpu.memory_space<hbm>>
    %dma_wait3A_702 = tpu.memref_squeeze %dma_wait3A_701 : memref<1x40x1024xf32, #tpu.memory_space<hbm>> -> memref<40x1024xf32, #tpu.memory_space<hbm>>
    %dma_wait3A_703 = arith.constant 0 : i32
    %dma_wait3A_704 = arith.constant 0 : i32
    %dma_wait3A_705 = tpu.memref_slice %arg6[%dma_wait3A_692, %dma_wait3A_703, %dma_wait3A_704] : memref<3x40x1024xf32, #tpu.memory_space<vmem>> -> memref<1x40x1024xf32, #tpu.memory_space<vmem>>
    %dma_wait3A_706 = tpu.memref_squeeze %dma_wait3A_705 : memref<1x40x1024xf32, #tpu.memory_space<vmem>> -> memref<40x1024xf32, #tpu.memory_space<vmem>>
    tpu.wait_dma2 semaphore(%arg12 : memref<!tpu.dma_semaphore, #tpu.memory_space<semaphore_mem>>) src(%dma_wait3A_706 : memref<40x1024xf32, #tpu.memory_space<vmem>>) dst(%dma_wait3A_702 : memref<40x1024xf32, #tpu.memory_space<hbm>>)
    return
  }
}

</mosaic_0001>

<sc_bundles>
// kernel: kernel.3.cloned.1.call-start
scs
__scs_entry_jumppad:
0x0: {  	(pc) =	sbr.rel $0x88, $3  }
0x1: {  	(tag) =	ssettag $0x0;
	lr =	simm.s32 $0x1  }
0x2: {  	[smem:$0x3F9F] =	sst lr;
	_ =	strace $0xD0000000  }
0x3: {  	_ = 	snop  }
0x4: {  	_ = 	snop  }
0x5: {  	_ = 	snop  }
0x6: {  	_ = 	snop  }
0x7: {  	_ = 	snop  }
__scs_overlays_trampoline_lowered:
0x8: {  	[smem:$0x3FAE] =	sst s0  }
0x9: {  	[smem:$0x3FAF] =	sst s1  }
0xa: {  	[smem:$0x3FB0] =	sst s2  }
0xb: {  	[smem:$0x3FB1] =	sst s3  }
0xc: {  	[smem:$0x3FB2] =	sst s4  }
0xd: {  	[smem:$0x3FB3] =	sst s5  }
0xe: {  	[smem:$0x3FB4] =	sst s6  }
0xf: {  	[smem:$0x3FB5] =	sst s7  }
0x10: {  	[smem:$0x3FB6] =	sst s8  }
0x11: {  	[smem:$0x3FB7] =	sst s9;
	s0 =	simm.s32 @!p0 $0x0  }
0x12: {  	s1 =	sld [smem:$0x3F9D];
	s0 =	simm.s32 @p0 $0x1  }
0x13: {  	[smem:$0x3FB8] =	sst s0;
	s0 =	simm.s32 @!p1 $0x0  }
0x14: {  	s2 =	sld [smem:$0x3F9C];
	s0 =	simm.s32 @p1 $0x1  }
0x15: {  	[smem:$0x3FB9] =	sst s0;
	s0 =	simm.s32 @!p2 $0x0  }
0x16: {  	s3 =	sld [smem:$0x3FDB];
	s0 =	simm.s32 @p2 $0x1  }
0x17: {  	s4 =	simm.s32 $0x1BF5;
	[smem:$0x3FBB] =	sst s0  }
0x18: {  	s0 =	sld [smem:$0x3F9E];
	_ =	swait.ge [sflag:s4], $0x0  }
0x19: {  	s7 =	sld [smem:$0x3F9F]  }
0x1a: {  	s8 =	sadd.s32 $0xFFFFE003, lr  }
0x1b: {  	s9 =	sadd.s32 $0xFFFFFEF7, lr;
	s5 =	simm.s32 $0xFFFFFFFF;
	p2 =	slt.u32 s8, $0xFFFFF086  }
0x1c: {  	p1 =	slt.u32 s9, $0xF7A;
	s5 =	simm.s32 @!p2 $0x0  }
0x1d: {  	s5 =	simm.s32 @p1 $0x1;
	p0 =	seq.s32 s7, s2  }
0x1e: {  	s7 =	smul.u32 @!p0 $0xF7A, s2;
	p2 =	seq.s32 @!p0 s5, $0x0  }
0x1f: {  	s9 =	smul.u32 $0xF7A, s1;
	s8 =	simm.s32 @!p0 $0x1BF5;
	p2 =	por !p2, p0  }
0x20: {  	[sflag:s8] =	ssyncset.s32 @!p0 $0xFFFFF086;
	s6 =	sadd.s32 @!p0 s3, s7;
	s7 =	simm.s32 @!p0 $0x108  }
0x21: {  	s3 =	sadd.s32 s3, s9;
	s6 =	sadd.s32 @!p0 $0x88, s6;
	s7 =	simm.s32 @p2 $0x1082  }
0x22: {  	[simem:s7], [sflag:s8] =	dma.local @!p0 [hbm:s6], $0xF7A  }
0x23: {  	s9 =	sor.u32 $0xD0000000, s2;
	s6 =	simm.s32 $0x108;
	_ =	swait.ge @!p0 [sflag:s8], $0x0  }
0x24: {  	s3 =	sadd.s32 $0x88, s3;
	s6 =	simm.s32 @!p1 $0x1082;
	[sflag:s4] =	ssyncset.s32 $0xFFFFF086  }
0x25: {  	[simem:s6], [sflag:s4] =	dma.local [hbm:s3], $0xF7A  }
0x26: {  	[smem:$0x3F9F] =	sst s1;
	(tag) =	ssettag s2;
	_ =	strace s9  }
0x27: {  	s1 =	sld [smem:$0x3FAF]  }
0x28: {  	s2 =	sld [smem:$0x3FB0]  }
0x29: {  	s4 =	sld [smem:$0x3FB2]  }
0x2a: {  	p0 =	seq.s32 s5, $0x0;
	s5 =	sld [smem:$0x3FB3]  }
0x2b: {  	s6 =	sld [smem:$0x3FB4]  }
0x2c: {  	s7 =	sld [smem:$0x3FB5]  }
0x2d: {  	s3 =	simm.s32 $0x108;
	s8 =	sld [smem:$0x3FB6]  }
0x2e: {  	s3 =	simm.s32 @!p0 $0x1082;
	s9 =	sld [smem:$0x3FB7]  }
0x2f: {  	lr =	sadd.s32 s0, s3;
	s0 =	sld [smem:$0x3FAE]  }
0x30: {  	s3 =	sld [smem:$0x3FB1]  }
0x31: {  	[smem:$0x3FBA] =	sst s10  }
0x32: {  	s10 =	sld [smem:$0x3FB8];
	_ =	sdelay $0x3  }
0x33: {  	p0 =	seq.s32 s10, $0x1;
	s10 =	sld [smem:$0x3FBA];
	_ =	sdelay $0x3  }
0x34: {  	[smem:$0x3FBA] =	sst s10  }
0x35: {  	s10 =	sld [smem:$0x3FB9];
	_ =	sdelay $0x3  }
0x36: {  	p1 =	seq.s32 s10, $0x1;
	s10 =	sld [smem:$0x3FBA];
	_ =	sdelay $0x3  }
0x37: {  	[smem:$0x3FBA] =	sst s10  }
0x38: {  	s10 =	sld [smem:$0x3FBB]  }
0x39: {  	_ = 	snop;
	(pc) =	sbr.ind lr, $3  }
0x3a: {  	_ = 	snop  }
0x3b: {  	_ = 	snop  }
0x3c: {  	p2 =	seq.s32 s10, $0x1;
	s10 =	sld [smem:$0x3FBA]  }
0x3d: {  	_ =	shalt  }
0x3e: {  	_ =	shalt  }
0x3f: {  	_ =	shalt  }
0x40: {  	_ =	shalt  }
0x41: {  	_ =	shalt  }
0x42: {  	_ =	shalt  }
0x43: {  	_ =	shalt  }
0x44: {  	_ =	shalt  }
0x45: {  	_ =	shalt  }
0x46: {  	_ =	shalt  }
0x47: {  	_ =	shalt  }
0x48: {  	_ =	shalt  }
0x49: {  	_ =	shalt  }
0x4a: {  	_ =	shalt  }
0x4b: {  	_ =	shalt  }
0x4c: {  	_ =	shalt  }
0x4d: {  	_ =	shalt  }
0x4e: {  	_ =	shalt  }
0x4f: {  	_ =	shalt  }
0x50: {  	_ =	shalt  }
0x51: {  	_ =	shalt  }
0x52: {  	_ =	shalt  }
0x53: {  	_ =	shalt  }
0x54: {  	_ =	shalt  }
0x55: {  	_ =	shalt  }
0x56: {  	_ =	shalt  }
0x57: {  	_ =	shalt  }
0x58: {  	_ =	shalt  }
0x59: {  	_ =	shalt  }
0x5a: {  	_ =	shalt  }
0x5b: {  	_ =	shalt  }
0x5c: {  	_ =	shalt  }
0x5d: {  	_ =	shalt  }
0x5e: {  	_ =	shalt  }
0x5f: {  	_ =	shalt  }
0x60: {  	_ =	shalt  }
0x61: {  	_ =	shalt  }
0x62: {  	_ =	shalt  }
0x63: {  	_ =	shalt  }
0x64: {  	_ =	shalt  }
0x65: {  	_ =	shalt  }
0x66: {  	_ =	shalt  }
0x67: {  	_ =	shalt  }
0x68: {  	_ =	shalt  }
0x69: {  	_ =	shalt  }
0x6a: {  	_ =	shalt  }
0x6b: {  	_ =	shalt  }
0x6c: {  	_ =	shalt  }
0x6d: {  	_ =	shalt  }
0x6e: {  	_ =	shalt  }
0x6f: {  	_ =	shalt  }
0x70: {  	_ =	shalt  }
0x71: {  	_ =	shalt  }
0x72: {  	_ =	shalt  }
0x73: {  	_ =	shalt  }
0x74: {  	_ =	shalt  }
0x75: {  	_ =	shalt  }
0x76: {  	_ =	shalt  }
0x77: {  	_ =	shalt  }
0x78: {  	_ =	shalt  }
0x79: {  	_ =	shalt  }
0x7a: {  	_ =	shalt  }
0x7b: {  	_ =	shalt  }
0x7c: {  	_ =	shalt  }
0x7d: {  	_ =	shalt  }
0x7e: {  	_ =	shalt  }
0x7f: {  	_ =	shalt  }
0x80: {  	_ =	shalt  }
0x81: {  	_ =	shalt  }
0x82: {  	_ =	shalt  }
0x83: {  	_ =	shalt  }
0x84: {  	_ =	shalt  }
0x85: {  	_ =	shalt  }
0x86: {  	_ =	shalt  }
0x87: {  	_ =	shalt  }
.Lfunc_end0:
.L_simem_size_0:
called_computation_lowered:
.L_overlay_start_0:
0x88: {  	s2 =	sld [smem:$0x3FD9]  }
0x89: {  	s3 =	sld [smem:$0x3FFE];
	_ =	sdelay $0x1  }
0x8a: {  	s1 =	srdreg.scid  }
0x8b: {  	s0 =	sand.u32 $0x1, s1  }
0x8c: {  	s18 =	sshll.u32 s0, $0xA;
	s2 =	sadd.s32 s3, s2  }
0x8d: {  	s2 =	sadd.s32 s2, s18  }
0x8e: {  	[smem:$0x3FC6] =	sst s2  }
0x8f: {  	_ = 	snop  }
0x90: {  	s2 =	sld [smem:$0x3FC9]  }
0x91: {  	s19 =	sld [smem:$0x3FC8]  }
0x92: {  	s4 =	sld [smem:$0x3FD0];
	(tm) =	ssettm $0x1  }
0x93: {  	s5 =	sld [smem:$0x3FFB];
	_ =	sdelay $0x3  }
0x94: {  	_ =	strace s5  }
0x95: {  	s5 =	sld [smem:$0x3FFC];
	_ =	sdelay $0x3  }
0x96: {  	_ =	strace s5  }
0x97: {  	s5 =	sld [smem:$0x3FFD];
	_ =	sdelay $0x3  }
0x98: {  	_ =	strace s5  }
0x99: {  	_ =	strace $0x8FFFFFFF  }
0x9a: {  	s20 =	sld [smem:$0x3FDB];
	_ =	sdelay $0x1  }
0x9b: {  	s6 =	simm.s32 $_scs_section_size  }
0x9c: {  	s7 =	simm.s32 $_size__tile_overlayer_lowered;
	s8 =	simm.s32 $_tile_overlayer_lowered  }
0x9d: {  	s23 =	simm.s32 $0x1BFF;
	s22 =	sshll.u32 s8, $0x1;
	s5 =	sadd.s32 s6, s20  }
0x9e: {  	s9 =	simm.s32 $0x0;
	s21 =	sshll.u32 s7, $0x1;
	s7 =	sadd.s32 s22, s5  }
0x9f: {  	[timem:s9], [sflag:s23] =	dma.local [hbm:s7], s21  }
0xa0: {  	_ =	swait.ge [sflag:s23], s21  }
0xa1: {  	s6 =	ssub.s32 $0x0, s21;
	[sflag:s23] =	ssyncset.done $0x0  }
0xa2: {  	[sflag:s23] =	ssyncadd.s32 s6;
	_ =	sdelay $0x1  }
0xa3: {  	s24 =	simm.s32 $0x1B8B  }
0xa4: {  	_ =	swait.ge [sflag:s24], $0x1  }
0xa5: {  	[sflag:s24] =	ssyncset.done $0x0  }
0xa6: {  	s25 =	simm.s32 $0x1B8E;
	[sflag:s24] =	ssyncadd.s32 $0xFFFFFFFF  }
0xa7: {  	s26 =	simm.s32 $execute0_lowered;
	[smem:$0x3FD2] =	sst s25  }
0xa8: {  	s6 =	sshll.u32 s26, $0x1;
	_ =	strace $0x80000046;
	[dreg:$0x1] =	wrdreg $0xFFFFFFFF  }
0xa9: {  	s28 =	simm.s32 $_size_execute0_lowered;
	s5 =	sadd.s32 s5, s6;
	[dreg:$0x0] =	wrdreg $0x0  }
0xaa: {  	s6 =	sshll.u32 s28, $0x1;
	[dreg:$0x2] =	wrdreg s5  }
0xab: {  	[dreg:$0x3] =	wrdreg s6  }
0xac: {  	[dreg:$0x4] =	wrdreg $0xC0  }
0xad: {  	_ =	task [dreg:s9], $0x5FFFF  }
0xae: {  	[dreg:$0x1] =	wrdreg $0xFFFFFFFF  }
0xaf: {  	[dreg:$0x0] =	wrdreg $0x60  }
0xb0: {  	[dreg:$0x2] =	wrdreg s2  }
0xb1: {  	[dreg:$0x3] =	wrdreg s19  }
0xb2: {  	[dreg:$0x4] =	wrdreg s4  }
0xb3: {  	[dreg:$0x5] =	wrdreg $0x9  }
0xb4: {  	_ =	task.clear_ibuf [dreg:s9], $0x6FFFF;
	_ =	strace $0x90000046  }
0xb5: {  	s29 =	simm.s32 $0x9;
	_ =	strace $0x80000048  }
0xb6: {  	_ =	swait.ge [sflag:s29], $0x1  }
0xb7: {  	[sflag:s29] =	ssyncadd.s32 $0xFFFFFFFF  }
0xb8: {  	_ =	strace $0x90000048  }
0xb9: {  	_ =	sfence  }
0xba: {  	s30 =	sld [smem:$0x0];
	_ =	sdelay $0x2  }
0xbb: {  	s31 =	sshll.u32 s1, $0xD;
	s1 =	sshrl.u32 s1, $0x2  }
0xbc: {  	s3 =	sand.u32 $0x4000, s31;
	s1 =	sadd.s32 s1, s30  }
0xbd: {  	s0 =	sor.u32 s3, s0;
	s1 =	sshll.u32 s1, $0x11  }
0xbe: {  	s0 =	sor.u32 s1, s0  }
0xbf: {  	s0 =	sadd.s32 $0x8F2B, s0  }
0xc0: {  	[sflag:s0] =	ssyncadd.remote.s32 $0x1  }
0xc1: {  	_ =	sfence.sel $0xFFFF  }
0xc2: {  	[dreg:$0x0] =	wrdreg $0xFFFFFFFF;
	(pc) =	sbr.abs _section_cstart, $3  }
0xc3: {  	[dreg:$0x1] =	wrdreg $0xFFFFFFFF  }
0xc4: {  	_ =	task.clear_ibuf [dreg:s9], $0x2FFFF;
	_ =	strace $0x9FFFFFFF  }
0xc5: {  	(tm) =	ssettm $0x7FFFFFFF  }
tec
execute0_lowered:
.L_overlay_start_1:
0x0: {  	(tag) =	ssettag $0x1  }
0x1: {  	s0 =	rddreg [dreg:$0x0]  }
0x2: {  	s2 =	rddreg [dreg:$0x1]  }
0x3: {  	s1 =	rddreg [dreg:$0x2]  }
0x4: {  	s6 =	stileid.u32;
	s4 =	srdreg.scid  }
0x5: {  	s3 =	simm.s32 $0x0;
	s31 =	simm.s32 $0x80;
	s28 =	simm.s32 $0x5  }
0x6: {  	s5 =	sshll.u32 s6, $0x1;
	s4 =	sand.u32 $0x1, s4;
	s6 =	sshrl.u32 s6, $0x2  }
0x7: {  	[smem:$0x7FF] =	sst s3;
	s5 =	sand.u32 $0x6, s5;
	s8 =	sshll.u32 s6, $0x4  }
0x8: {  	s6 =	sshll.u32 s6, $0x13;
	_ =	strace $0x80000047;
	s5 =	sor.u32 s4, s5  }
0x9: {  	s0 =	sadd.s32 s0, s8;
	s7 =	sshll.u32 s5, $0x10;
	s5 =	sshll.u32 s5, $0x8  }
0xa: {  	[dreg:$0x11] =	wrdreg s31;
	s6 =	sor.u32 s6, s7;
	s0 =	sadd.s32 s5, s0  }
0xb: {  	s29 =	simm.s32 $0x3;
	s7 =	sadd.s32 s1, s6;
	[dreg:$0x4] =	wrdreg s0  }
0xc: {  	s30 =	simm.s32 $0x6;
	s14 =	sadd.s32 $0x1400, s7;
	[dreg:$0x12] =	wrdreg s7  }
0xd: {  	s10 =	simm.s32 $0xA200;
	s15 =	sadd.s32 $0x2800, s7;
	[dreg:$0x5] =	wrdreg s14  }
0xe: {  	s9 =	simm.s32 $0x14200;
	s16 =	sadd.s32 $0x3C00, s7;
	[dreg:$0x6] =	wrdreg s15  }
0xf: {  	s21 =	ssub.s32 $0x2, s4;
	s17 =	sadd.s32 $0x5000, s7;
	[dreg:$0x7] =	wrdreg s16  }
0x10: {  	s4 =	sshrl.u32 s21, $0x1;
	s18 =	sadd.s32 $0x6400, s7;
	[dreg:$0x8] =	wrdreg s17  }
0x11: {  	s5 =	sadd.s32 $0x100, s2;
	s19 =	sadd.s32 $0x7800, s7;
	[dreg:$0x9] =	wrdreg s18  }
0x12: {  	s1 =	ssub.s32 s21, s4;
	s20 =	sadd.s32 $0x8C00, s7;
	[dreg:$0xa] =	wrdreg s19  }
0x13: {  	s6 =	sadd.s32 $0x200, s2;
	s22 =	sadd.s32 $0xA000, s7;
	[dreg:$0xb] =	wrdreg s20  }
0x14: {  	s4 =	simm.s32 $0x4;
	s23 =	sadd.s32 $0xB400, s7;
	[dreg:$0xc] =	wrdreg s22  }
0x15: {  	s24 =	sadd.s32 $0xC800, s7;
	s25 =	sadd.s32 $0xDC00, s7;
	[dreg:$0xd] =	wrdreg s23  }
0x16: {  	v2 =	vlaneseq.u32;
	s26 =	sadd.s32 $0xF000, s7;
	s7 =	sadd.s32 $0x300, s2;
	[dreg:$0xe] =	wrdreg s24  }
0x17: {  	vm0 =	vmmov $0xffff;
	v1 =	vshrl.u32 v2, $0x3;
	s8 =	smax.u32 s1, $0x1;
	s1 =	simm.s32 $0x1;
	[dreg:$0xf] =	wrdreg s25  }
0x18: {  	v0 =	vand.u32 $0x7, v2;
	v2 =	vor.u32 $0x8, v2;
	v1 =	vmul.u32 $0x8, v1;
	[dreg:$0x10] =	wrdreg s26;
	s15 =	simm.s32 $0x200;
	s26 =	simm.s32 $0x2  }
.LBB2_1:
0x19: {  	s0 =	rddreg [dreg:$0x4]  }
0x1a: {  	s11 =	rddreg [dreg:$0x11];
	s20 =	simm.s32 $0x7  }
0x1b: {  	[tilespmem:s3], [sflag:$0x7] =	stream.strided.gather [hbm4b:s0+s11], $0x200, s15, s11, $0x38;
	[tilespmem:$0x1E200] =	vst v63  }
0x1c: {  	_ =	swait.ge [sflag:s20], $0x200  }
0x1d: {  	[sflag:s20] =	ssyncset.done $0x0  }
0x1e: {  	[sflag:s20] =	ssyncadd.s32 $0xFFFFFE00  }
0x1f: {  	v3 =	vld [tilespmem:$0x0];
	_ =	sdelay $0x4  }
0x20: {  	v4 =	vshll.u32 v3, $0x3  }
0x21: {  	v3 =	vand.u32 $0x7, v3;
	v4 =	vand.u32 $0xFFFFFFC0, v4  }
0x22: {  	v3 =	vor.u32 v3, v4  }
0x23: {  	v4 =	vperm.xlane v3, v0;
	_ =	sdelay $0x1  }
0x24: {  	v4 =	vadd.s32 v1, v4;
	_ =	sdelay $0x4  }
0x25: {  	[tilespmem:s15], [sflag:$0x1] =	stream.indirect_vreg.gather [hbm4b:s2+s3], $0x80, v4, vm0, $0xb8;
	[tilespmem:$0x1E200] =	vst v63  }
0x26: {  	s21 =	simm.s32 $0xA00;
	v3 =	vperm.xlane v3, v2  }
0x27: {  	[tilespmem:s21], [sflag:$0x1] =	stream.indirect_vreg.gather [hbm4b:s5+s3], $0x80, v4, vm0, $0xb8;
	[tilespmem:$0x1E200] =	vst v63  }
0x28: {  	s22 =	simm.s32 $0x1200;
	v3 =	vadd.s32 v1, v3  }
0x29: {  	[tilespmem:s22], [sflag:$0x1] =	stream.indirect_vreg.gather [hbm4b:s6+s3], $0x80, v4, vm0, $0xb8;
	[tilespmem:$0x1E200] =	vst v63  }
0x2a: {  	s23 =	simm.s32 $0x1A00  }
0x2b: {  	[tilespmem:s23], [sflag:$0x1] =	stream.indirect_vreg.gather [hbm4b:s7+s3], $0x80, v4, vm0, $0xb8;
	[tilespmem:$0x1E200] =	vst v63  }
0x2c: {  	s25 =	simm.s32 $0x2200  }
0x2d: {  	[tilespmem:s25], [sflag:$0x1] =	stream.indirect_vreg.gather [hbm4b:s2+s3], $0x80, v3, vm0, $0xb8;
	[tilespmem:$0x1E200] =	vst v63  }
0x2e: {  	s11 =	simm.s32 $0x2A00  }
0x2f: {  	[tilespmem:s11], [sflag:$0x1] =	stream.indirect_vreg.gather [hbm4b:s5+s3], $0x80, v3, vm0, $0xb8;
	[tilespmem:$0x1E200] =	vst v63  }
0x30: {  	s12 =	simm.s32 $0x3200  }
0x31: {  	[tilespmem:s12], [sflag:$0x1] =	stream.indirect_vreg.gather [hbm4b:s6+s3], $0x80, v3, vm0, $0xb8;
	[tilespmem:$0x1E200] =	vst v63  }
0x32: {  	s13 =	simm.s32 $0x3A00  }
0x33: {  	[tilespmem:s13], [sflag:$0x1] =	stream.indirect_vreg.gather [hbm4b:s7+s3], $0x80, v3, vm0, $0xb8;
	[tilespmem:$0x1E200] =	vst v63  }
0x34: {  	v3 =	vld [tilespmem:$0x10];
	_ =	sdelay $0x4  }
0x35: {  	v27 =	vshll.u32 v3, $0x3  }
0x36: {  	v3 =	vand.u32 $0x7, v3;
	v4 =	vand.u32 $0xFFFFFFC0, v27  }
0x37: {  	v3 =	vor.u32 v3, v4  }
0x38: {  	v4 =	vperm.xlane v3, v0;
	_ =	sdelay $0x1  }
0x39: {  	v4 =	vadd.s32 v1, v4;
	_ =	sdelay $0x3  }
0x3a: {  	s14 =	simm.s32 $0x4200  }
0x3b: {  	[tilespmem:s14], [sflag:$0x1] =	stream.indirect_vreg.gather [hbm4b:s2+s3], $0x80, v4, vm0, $0xb8;
	[tilespmem:$0x1E200] =	vst v63  }
0x3c: {  	s19 =	simm.s32 $0x4A00;
	v3 =	vperm.xlane v3, v2  }
0x3d: {  	[tilespmem:s19], [sflag:$0x1] =	stream.indirect_vreg.gather [hbm4b:s5+s3], $0x80, v4, vm0, $0xb8;
	[tilespmem:$0x1E200] =	vst v63  }
0x3e: {  	s20 =	simm.s32 $0x5200;
	v3 =	vadd.s32 v1, v3  }
0x3f: {  	[tilespmem:s20], [sflag:$0x1] =	stream.indirect_vreg.gather [hbm4b:s6+s3], $0x80, v4, vm0, $0xb8;
	[tilespmem:$0x1E200] =	vst v63  }
0x40: {  	s21 =	simm.s32 $0x5A00  }
0x41: {  	[tilespmem:s21], [sflag:$0x1] =	stream.indirect_vreg.gather [hbm4b:s7+s3], $0x80, v4, vm0, $0xb8;
	[tilespmem:$0x1E200] =	vst v63  }
0x42: {  	s22 =	simm.s32 $0x6200  }
0x43: {  	[tilespmem:s22], [sflag:$0x1] =	stream.indirect_vreg.gather [hbm4b:s2+s3], $0x80, v3, vm0, $0xb8;
	[tilespmem:$0x1E200] =	vst v63  }
0x44: {  	s23 =	simm.s32 $0x6A00  }
0x45: {  	[tilespmem:s23], [sflag:$0x1] =	stream.indirect_vreg.gather [hbm4b:s5+s3], $0x80, v3, vm0, $0xb8;
	[tilespmem:$0x1E200] =	vst v63  }
0x46: {  	s11 =	simm.s32 $0x7200  }
0x47: {  	[tilespmem:s11], [sflag:$0x1] =	stream.indirect_vreg.gather [hbm4b:s6+s3], $0x80, v3, vm0, $0xb8;
	[tilespmem:$0x1E200] =	vst v63  }
0x48: {  	s14 =	simm.s32 $0x7A00  }
0x49: {  	[tilespmem:s14], [sflag:$0x1] =	stream.indirect_vreg.gather [hbm4b:s7+s3], $0x80, v3, vm0, $0xb8;
	[tilespmem:$0x1E200] =	vst v63  }
0x4a: {  	v3 =	vld.msk [tilespmem:$0x20], $0xff;
	_ =	sdelay $0x4  }
0x4b: {  	v28 =	vshll.u32 v3, $0x3  }
0x4c: {  	v3 =	vand.u32 $0x7, v3;
	v4 =	vand.u32 $0xFFFFFFC0, v28  }
0x4d: {  	v3 =	vor.u32 v3, v4  }
0x4e: {  	v3 =	vperm.xlane v3, v0;
	_ =	sdelay $0x1  }
0x4f: {  	v3 =	vadd.s32 v1, v3;
	_ =	sdelay $0x3  }
0x50: {  	s11 =	simm.s32 $0x8200  }
0x51: {  	[tilespmem:s11], [sflag:$0x1] =	stream.indirect_vreg.gather [hbm4b:s2+s3], $0x80, v3, vm0, $0xb8;
	[tilespmem:$0x1E200] =	vst v63  }
0x52: {  	s11 =	simm.s32 $0x8A00  }
0x53: {  	[tilespmem:s11], [sflag:$0x1] =	stream.indirect_vreg.gather [hbm4b:s5+s3], $0x80, v3, vm0, $0xb8;
	[tilespmem:$0x1E200] =	vst v63  }
0x54: {  	s11 =	simm.s32 $0x9200  }
0x55: {  	[tilespmem:s11], [sflag:$0x1] =	stream.indirect_vreg.gather [hbm4b:s6+s3], $0x80, v3, vm0, $0xb8;
	[tilespmem:$0x1E200] =	vst v63  }
0x56: {  	s11 =	simm.s32 $0x9A00  }
0x57: {  	[tilespmem:s11], [sflag:$0x1] =	stream.indirect_vreg.gather [hbm4b:s7+s3], $0x80, v3, vm0, $0xb8;
	[tilespmem:$0x1E200] =	vst v63  }
0x58: {  	v3 =	vld [tilespmem:$0x28];
	_ =	sdelay $0x4  }
0x59: {  	v29 =	vshll.u32 v3, $0x3  }
0x5a: {  	v3 =	vand.u32 $0x7, v3;
	v4 =	vand.u32 $0xFFFFFFC0, v29  }
0x5b: {  	v3 =	vor.u32 v3, v4  }
0x5c: {  	v4 =	vperm.xlane v3, v0;
	_ =	sdelay $0x1  }
0x5d: {  	v4 =	vadd.s32 v1, v4;
	_ =	sdelay $0x4  }
0x5e: {  	[tilespmem:s10], [sflag:$0x2] =	stream.indirect_vreg.gather [hbm4b:s2+s3], $0x80, v4, vm0, $0xb8;
	[tilespmem:$0x1E200] =	vst v63  }
0x5f: {  	s0 =	simm.s32 $0xAA00;
	v3 =	vperm.xlane v3, v2  }
0x60: {  	[tilespmem:s0], [sflag:$0x2] =	stream.indirect_vreg.gather [hbm4b:s5+s3], $0x80, v4, vm0, $0xb8;
	[tilespmem:$0x1E200] =	vst v63  }
0x61: {  	v3 =	vadd.s32 v1, v3;
	s0 =	simm.s32 $0xB200  }
0x62: {  	[tilespmem:s0], [sflag:$0x2] =	stream.indirect_vreg.gather [hbm4b:s6+s3], $0x80, v4, vm0, $0xb8;
	[tilespmem:$0x1E200] =	vst v63  }
0x63: {  	s0 =	simm.s32 $0xBA00  }
0x64: {  	[tilespmem:s0], [sflag:$0x2] =	stream.indirect_vreg.gather [hbm4b:s7+s3], $0x80, v4, vm0, $0xb8;
	[tilespmem:$0x1E200] =	vst v63  }
0x65: {  	s0 =	simm.s32 $0xC200  }
0x66: {  	[tilespmem:s0], [sflag:$0x2] =	stream.indirect_vreg.gather [hbm4b:s2+s3], $0x80, v3, vm0, $0xb8;
	[tilespmem:$0x1E200] =	vst v63  }
0x67: {  	s0 =	simm.s32 $0xCA00  }
0x68: {  	[tilespmem:s0], [sflag:$0x2] =	stream.indirect_vreg.gather [hbm4b:s5+s3], $0x80, v3, vm0, $0xb8;
	[tilespmem:$0x1E200] =	vst v63  }
0x69: {  	s0 =	simm.s32 $0xD200  }
0x6a: {  	[tilespmem:s0], [sflag:$0x2] =	stream.indirect_vreg.gather [hbm4b:s6+s3], $0x80, v3, vm0, $0xb8;
	[tilespmem:$0x1E200] =	vst v63  }
0x6b: {  	s0 =	simm.s32 $0xDA00  }
0x6c: {  	[tilespmem:s0], [sflag:$0x2] =	stream.indirect_vreg.gather [hbm4b:s7+s3], $0x80, v3, vm0, $0xb8;
	[tilespmem:$0x1E200] =	vst v63  }
0x6d: {  	v3 =	vld [tilespmem:$0x38];
	_ =	sdelay $0x4  }
0x6e: {  	v30 =	vshll.u32 v3, $0x3  }
0x6f: {  	v3 =	vand.u32 $0x7, v3;
	v4 =	vand.u32 $0xFFFFFFC0, v30  }
0x70: {  	v3 =	vor.u32 v3, v4  }
0x71: {  	v4 =	vperm.xlane v3, v0;
	_ =	sdelay $0x1  }
0x72: {  	v4 =	vadd.s32 v1, v4;
	_ =	sdelay $0x3  }
0x73: {  	s0 =	simm.s32 $0xE200  }
0x74: {  	[tilespmem:s0], [sflag:$0x2] =	stream.indirect_vreg.gather [hbm4b:s2+s3], $0x80, v4, vm0, $0xb8;
	[tilespmem:$0x1E200] =	vst v63  }
0x75: {  	v3 =	vperm.xlane v3, v2;
	s0 =	simm.s32 $0xEA00  }
0x76: {  	[tilespmem:s0], [sflag:$0x2] =	stream.indirect_vreg.gather [hbm4b:s5+s3], $0x80, v4, vm0, $0xb8;
	[tilespmem:$0x1E200] =	vst v63  }
0x77: {  	v3 =	vadd.s32 v1, v3;
	s0 =	simm.s32 $0xF200  }
0x78: {  	[tilespmem:s0], [sflag:$0x2] =	stream.indirect_vreg.gather [hbm4b:s6+s3], $0x80, v4, vm0, $0xb8;
	[tilespmem:$0x1E200] =	vst v63  }
0x79: {  	s0 =	simm.s32 $0xFA00  }
0x7a: {  	[tilespmem:s0], [sflag:$0x2] =	stream.indirect_vreg.gather [hbm4b:s7+s3], $0x80, v4, vm0, $0xb8;
	[tilespmem:$0x1E200] =	vst v63  }
0x7b: {  	s0 =	simm.s32 $0x10200  }
0x7c: {  	[tilespmem:s0], [sflag:$0x2] =	stream.indirect_vreg.gather [hbm4b:s2+s3], $0x80, v3, vm0, $0xb8;
	[tilespmem:$0x1E200] =	vst v63  }
0x7d: {  	s0 =	simm.s32 $0x10A00  }
0x7e: {  	[tilespmem:s0], [sflag:$0x2] =	stream.indirect_vreg.gather [hbm4b:s5+s3], $0x80, v3, vm0, $0xb8;
	[tilespmem:$0x1E200] =	vst v63  }
0x7f: {  	s0 =	simm.s32 $0x11200  }
0x80: {  	[tilespmem:s0], [sflag:$0x2] =	stream.indirect_vreg.gather [hbm4b:s6+s3], $0x80, v3, vm0, $0xb8;
	[tilespmem:$0x1E200] =	vst v63  }
0x81: {  	s0 =	simm.s32 $0x11A00  }
0x82: {  	[tilespmem:s0], [sflag:$0x2] =	stream.indirect_vreg.gather [hbm4b:s7+s3], $0x80, v3, vm0, $0xb8;
	[tilespmem:$0x1E200] =	vst v63  }
0x83: {  	v3 =	vld.msk [tilespmem:$0x48], $0xff;
	_ =	sdelay $0x4  }
0x84: {  	v31 =	vshll.u32 v3, $0x3  }
0x85: {  	v3 =	vand.u32 $0x7, v3;
	v4 =	vand.u32 $0xFFFFFFC0, v31  }
0x86: {  	v3 =	vor.u32 v3, v4  }
0x87: {  	v3 =	vperm.xlane v3, v0;
	_ =	sdelay $0x1  }
0x88: {  	v3 =	vadd.s32 v1, v3;
	_ =	sdelay $0x3  }
0x89: {  	s0 =	simm.s32 $0x12200  }
0x8a: {  	[tilespmem:s0], [sflag:$0x2] =	stream.indirect_vreg.gather [hbm4b:s2+s3], $0x80, v3, vm0, $0xb8;
	[tilespmem:$0x1E200] =	vst v63  }
0x8b: {  	s0 =	simm.s32 $0x12A00  }
0x8c: {  	[tilespmem:s0], [sflag:$0x2] =	stream.indirect_vreg.gather [hbm4b:s5+s3], $0x80, v3, vm0, $0xb8;
	[tilespmem:$0x1E200] =	vst v63  }
0x8d: {  	s0 =	simm.s32 $0x13200  }
0x8e: {  	[tilespmem:s0], [sflag:$0x2] =	stream.indirect_vreg.gather [hbm4b:s6+s3], $0x80, v3, vm0, $0xb8;
	[tilespmem:$0x1E200] =	vst v63  }
0x8f: {  	s0 =	simm.s32 $0x13A00  }
0x90: {  	[tilespmem:s0], [sflag:$0x2] =	stream.indirect_vreg.gather [hbm4b:s7+s3], $0x80, v3, vm0, $0xb8;
	[tilespmem:$0x1E200] =	vst v63  }
0x91: {  	v3 =	vld [tilespmem:$0x50];
	_ =	sdelay $0x4  }
0x92: {  	v32 =	vshll.u32 v3, $0x3  }
0x93: {  	v3 =	vand.u32 $0x7, v3;
	v4 =	vand.u32 $0xFFFFFFC0, v32  }
0x94: {  	v3 =	vor.u32 v3, v4  }
0x95: {  	v4 =	vperm.xlane v3, v0;
	_ =	sdelay $0x1  }
0x96: {  	v4 =	vadd.s32 v1, v4;
	_ =	sdelay $0x4  }
0x97: {  	[tilespmem:s9], [sflag:$0x3] =	stream.indirect_vreg.gather [hbm4b:s2+s3], $0x80, v4, vm0, $0xb8;
	[tilespmem:$0x1E200] =	vst v63  }
0x98: {  	s0 =	simm.s32 $0x14A00;
	v3 =	vperm.xlane v3, v2  }
0x99: {  	[tilespmem:s0], [sflag:$0x3] =	stream.indirect_vreg.gather [hbm4b:s5+s3], $0x80, v4, vm0, $0xb8;
	[tilespmem:$0x1E200] =	vst v63  }
0x9a: {  	v3 =	vadd.s32 v1, v3;
	s0 =	simm.s32 $0x15200  }
0x9b: {  	[tilespmem:s0], [sflag:$0x3] =	stream.indirect_vreg.gather [hbm4b:s6+s3], $0x80, v4, vm0, $0xb8;
	[tilespmem:$0x1E200] =	vst v63  }
0x9c: {  	s0 =	simm.s32 $0x15A00  }
0x9d: {  	[tilespmem:s0], [sflag:$0x3] =	stream.indirect_vreg.gather [hbm4b:s7+s3], $0x80, v4, vm0, $0xb8;
	[tilespmem:$0x1E200] =	vst v63  }
0x9e: {  	s0 =	simm.s32 $0x16200  }
0x9f: {  	[tilespmem:s0], [sflag:$0x3] =	stream.indirect_vreg.gather [hbm4b:s2+s3], $0x80, v3, vm0, $0xb8;
	[tilespmem:$0x1E200] =	vst v63  }
0xa0: {  	s0 =	simm.s32 $0x16A00  }
0xa1: {  	[tilespmem:s0], [sflag:$0x3] =	stream.indirect_vreg.gather [hbm4b:s5+s3], $0x80, v3, vm0, $0xb8;
	[tilespmem:$0x1E200] =	vst v63  }
0xa2: {  	s0 =	simm.s32 $0x17200  }
0xa3: {  	[tilespmem:s0], [sflag:$0x3] =	stream.indirect_vreg.gather [hbm4b:s6+s3], $0x80, v3, vm0, $0xb8;
	[tilespmem:$0x1E200] =	vst v63  }
0xa4: {  	s0 =	simm.s32 $0x17A00  }
0xa5: {  	[tilespmem:s0], [sflag:$0x3] =	stream.indirect_vreg.gather [hbm4b:s7+s3], $0x80, v3, vm0, $0xb8;
	[tilespmem:$0x1E200] =	vst v63  }
0xa6: {  	v3 =	vld [tilespmem:$0x60];
	_ =	sdelay $0x4  }
0xa7: {  	v33 =	vshll.u32 v3, $0x3  }
0xa8: {  	v3 =	vand.u32 $0x7, v3;
	v4 =	vand.u32 $0xFFFFFFC0, v33  }
0xa9: {  	v3 =	vor.u32 v3, v4  }
0xaa: {  	v4 =	vperm.xlane v3, v0;
	_ =	sdelay $0x1  }
0xab: {  	v4 =	vadd.s32 v1, v4;
	_ =	sdelay $0x3  }
0xac: {  	s0 =	simm.s32 $0x18200  }
0xad: {  	[tilespmem:s0], [sflag:$0x3] =	stream.indirect_vreg.gather [hbm4b:s2+s3], $0x80, v4, vm0, $0xb8;
	[tilespmem:$0x1E200] =	vst v63  }
0xae: {  	v3 =	vperm.xlane v3, v2;
	s0 =	simm.s32 $0x18A00  }
0xaf: {  	[tilespmem:s0], [sflag:$0x3] =	stream.indirect_vreg.gather [hbm4b:s5+s3], $0x80, v4, vm0, $0xb8;
	[tilespmem:$0x1E200] =	vst v63  }
0xb0: {  	v3 =	vadd.s32 v1, v3;
	s0 =	simm.s32 $0x19200  }
0xb1: {  	[tilespmem:s0], [sflag:$0x3] =	stream.indirect_vreg.gather [hbm4b:s6+s3], $0x80, v4, vm0, $0xb8;
	[tilespmem:$0x1E200] =	vst v63  }
0xb2: {  	s0 =	simm.s32 $0x19A00  }
0xb3: {  	[tilespmem:s0], [sflag:$0x3] =	stream.indirect_vreg.gather [hbm4b:s7+s3], $0x80, v4, vm0, $0xb8;
	[tilespmem:$0x1E200] =	vst v63  }
0xb4: {  	s0 =	simm.s32 $0x1A200  }
0xb5: {  	[tilespmem:s0], [sflag:$0x3] =	stream.indirect_vreg.gather [hbm4b:s2+s3], $0x80, v3, vm0, $0xb8;
	[tilespmem:$0x1E200] =	vst v63  }
0xb6: {  	s0 =	simm.s32 $0x1AA00  }
0xb7: {  	[tilespmem:s0], [sflag:$0x3] =	stream.indirect_vreg.gather [hbm4b:s5+s3], $0x80, v3, vm0, $0xb8;
	[tilespmem:$0x1E200] =	vst v63  }
0xb8: {  	s0 =	simm.s32 $0x1B200  }
0xb9: {  	[tilespmem:s0], [sflag:$0x3] =	stream.indirect_vreg.gather [hbm4b:s6+s3], $0x80, v3, vm0, $0xb8;
	[tilespmem:$0x1E200] =	vst v63  }
0xba: {  	s0 =	simm.s32 $0x1BA00  }
0xbb: {  	[tilespmem:s0], [sflag:$0x3] =	stream.indirect_vreg.gather [hbm4b:s7+s3], $0x80, v3, vm0, $0xb8;
	[tilespmem:$0x1E200] =	vst v63  }
0xbc: {  	v3 =	vld.msk [tilespmem:$0x70], $0xff;
	_ =	sdelay $0x4  }
0xbd: {  	v34 =	vshll.u32 v3, $0x3  }
0xbe: {  	v3 =	vand.u32 $0x7, v3;
	v4 =	vand.u32 $0xFFFFFFC0, v34  }
0xbf: {  	v3 =	vor.u32 v3, v4  }
0xc0: {  	v3 =	vperm.xlane v3, v0;
	_ =	sdelay $0x1  }
0xc1: {  	v3 =	vadd.s32 v1, v3;
	_ =	sdelay $0x3  }
0xc2: {  	s0 =	simm.s32 $0x1C200  }
0xc3: {  	[tilespmem:s0], [sflag:$0x3] =	stream.indirect_vreg.gather [hbm4b:s2+s3], $0x80, v3, vm0, $0xb8;
	[tilespmem:$0x1E200] =	vst v63  }
0xc4: {  	s0 =	simm.s32 $0x1CA00  }
0xc5: {  	[tilespmem:s0], [sflag:$0x3] =	stream.indirect_vreg.gather [hbm4b:s5+s3], $0x80, v3, vm0, $0xb8;
	[tilespmem:$0x1E200] =	vst v63  }
0xc6: {  	s0 =	simm.s32 $0x1D200  }
0xc7: {  	[tilespmem:s0], [sflag:$0x3] =	stream.indirect_vreg.gather [hbm4b:s6+s3], $0x80, v3, vm0, $0xb8;
	[tilespmem:$0x1E200] =	vst v63  }
0xc8: {  	s0 =	simm.s32 $0x1DA00  }
0xc9: {  	[tilespmem:s0], [sflag:$0x3] =	stream.indirect_vreg.gather [hbm4b:s7+s3], $0x80, v3, vm0, $0xb8;
	[tilespmem:$0x1E200] =	vst v63  }
0xca: {  	_ =	swait.ge [sflag:s1], $0xA000  }
0xcb: {  	[sflag:s1] =	ssyncset.done $0x0  }
0xcc: {  	s0 =	rddreg [dreg:$0x12];
	[sflag:s1] =	ssyncadd.s32 $0xFFFF6000  }
0xcd: {  	[hbm4b:s0+s3] =	stream.linear.scatter [tilespmem:s15], [sflag:$0x4], $0xA000, $0x38;
	[tilespmem:$0x1E200] =	vst v63  }
0xce: {  	_ =	swait.ge [sflag:s4], $0xA000  }
0xcf: {  	[sflag:s4] =	ssyncset.done $0x0  }
0xd0: {  	[sflag:s4] =	ssyncadd.s32 $0xFFFF6000  }
0xd1: {  	v3 =	vld [tilespmem:$0x78];
	_ =	sdelay $0x4  }
0xd2: {  	v35 =	vshll.u32 v3, $0x3  }
0xd3: {  	v3 =	vand.u32 $0x7, v3;
	v4 =	vand.u32 $0xFFFFFFC0, v35  }
0xd4: {  	v3 =	vor.u32 v3, v4  }
0xd5: {  	v4 =	vperm.xlane v3, v0;
	_ =	sdelay $0x1  }
0xd6: {  	v4 =	vadd.s32 v1, v4;
	_ =	sdelay $0x4  }
0xd7: {  	[tilespmem:s15], [sflag:$0x1] =	stream.indirect_vreg.gather [hbm4b:s2+s3], $0x80, v4, vm0, $0xb8;
	[tilespmem:$0x1E200] =	vst v63  }
0xd8: {  	s24 =	simm.s32 $0xA00;
	v3 =	vperm.xlane v3, v2  }
0xd9: {  	[tilespmem:s24], [sflag:$0x1] =	stream.indirect_vreg.gather [hbm4b:s5+s3], $0x80, v4, vm0, $0xb8;
	[tilespmem:$0x1E200] =	vst v63  }
0xda: {  	s31 =	simm.s32 $0x1200;
	v3 =	vadd.s32 v1, v3  }
0xdb: {  	[tilespmem:s31], [sflag:$0x1] =	stream.indirect_vreg.gather [hbm4b:s6+s3], $0x80, v4, vm0, $0xb8;
	[tilespmem:$0x1E200] =	vst v63  }
0xdc: {  	s31 =	simm.s32 $0x1A00  }
0xdd: {  	[tilespmem:s31], [sflag:$0x1] =	stream.indirect_vreg.gather [hbm4b:s7+s3], $0x80, v4, vm0, $0xb8;
	[tilespmem:$0x1E200] =	vst v63  }
0xde: {  	s16 =	simm.s32 $0x2200  }
0xdf: {  	[tilespmem:s16], [sflag:$0x1] =	stream.indirect_vreg.gather [hbm4b:s2+s3], $0x80, v3, vm0, $0xb8;
	[tilespmem:$0x1E200] =	vst v63  }
0xe0: {  	s17 =	simm.s32 $0x2A00  }
0xe1: {  	[tilespmem:s17], [sflag:$0x1] =	stream.indirect_vreg.gather [hbm4b:s5+s3], $0x80, v3, vm0, $0xb8;
	[tilespmem:$0x1E200] =	vst v63  }
0xe2: {  	s18 =	simm.s32 $0x3200  }
0xe3: {  	[tilespmem:s18], [sflag:$0x1] =	stream.indirect_vreg.gather [hbm4b:s6+s3], $0x80, v3, vm0, $0xb8;
	[tilespmem:$0x1E200] =	vst v63  }
0xe4: {  	s25 =	simm.s32 $0x3A00  }
0xe5: {  	[tilespmem:s25], [sflag:$0x1] =	stream.indirect_vreg.gather [hbm4b:s7+s3], $0x80, v3, vm0, $0xb8;
	[tilespmem:$0x1E200] =	vst v63  }
0xe6: {  	v3 =	vld [tilespmem:$0x88];
	_ =	sdelay $0x4  }
0xe7: {  	v36 =	vshll.u32 v3, $0x3  }
0xe8: {  	v3 =	vand.u32 $0x7, v3;
	v4 =	vand.u32 $0xFFFFFFC0, v36  }
0xe9: {  	v3 =	vor.u32 v3, v4  }
0xea: {  	v4 =	vperm.xlane v3, v0;
	_ =	sdelay $0x1  }
0xeb: {  	v4 =	vadd.s32 v1, v4;
	_ =	sdelay $0x3  }
0xec: {  	s12 =	simm.s32 $0x4200  }
0xed: {  	[tilespmem:s12], [sflag:$0x1] =	stream.indirect_vreg.gather [hbm4b:s2+s3], $0x80, v4, vm0, $0xb8;
	[tilespmem:$0x1E200] =	vst v63  }
0xee: {  	s13 =	simm.s32 $0x4A00;
	v3 =	vperm.xlane v3, v2  }
0xef: {  	[tilespmem:s13], [sflag:$0x1] =	stream.indirect_vreg.gather [hbm4b:s5+s3], $0x80, v4, vm0, $0xb8;
	[tilespmem:$0x1E200] =	vst v63  }
0xf0: {  	s19 =	simm.s32 $0x5200;
	v3 =	vadd.s32 v1, v3  }
0xf1: {  	[tilespmem:s19], [sflag:$0x1] =	stream.indirect_vreg.gather [hbm4b:s6+s3], $0x80, v4, vm0, $0xb8;
	[tilespmem:$0x1E200] =	vst v63  }
0xf2: {  	s20 =	simm.s32 $0x5A00  }
0xf3: {  	[tilespmem:s20], [sflag:$0x1] =	stream.indirect_vreg.gather [hbm4b:s7+s3], $0x80, v4, vm0, $0xb8;
	[tilespmem:$0x1E200] =	vst v63  }
0xf4: {  	s21 =	simm.s32 $0x6200  }
0xf5: {  	[tilespmem:s21], [sflag:$0x1] =	stream.indirect_vreg.gather [hbm4b:s2+s3], $0x80, v3, vm0, $0xb8;
	[tilespmem:$0x1E200] =	vst v63  }
0xf6: {  	s22 =	simm.s32 $0x6A00  }
0xf7: {  	[tilespmem:s22], [sflag:$0x1] =	stream.indirect_vreg.gather [hbm4b:s5+s3], $0x80, v3, vm0, $0xb8;
	[tilespmem:$0x1E200] =	vst v63  }
0xf8: {  	s23 =	simm.s32 $0x7200  }
0xf9: {  	[tilespmem:s23], [sflag:$0x1] =	stream.indirect_vreg.gather [hbm4b:s6+s3], $0x80, v3, vm0, $0xb8;
	[tilespmem:$0x1E200] =	vst v63  }
0xfa: {  	s14 =	simm.s32 $0x7A00  }
0xfb: {  	[tilespmem:s14], [sflag:$0x1] =	stream.indirect_vreg.gather [hbm4b:s7+s3], $0x80, v3, vm0, $0xb8;
	[tilespmem:$0x1E200] =	vst v63  }
0xfc: {  	v3 =	vld.msk [tilespmem:$0x98], $0xff;
	_ =	sdelay $0x4  }
0xfd: {  	v37 =	vshll.u32 v3, $0x3  }
0xfe: {  	v3 =	vand.u32 $0x7, v3;
	v4 =	vand.u32 $0xFFFFFFC0, v37  }
0xff: {  	v3 =	vor.u32 v3, v4  }
0x100: {  	v3 =	vperm.xlane v3, v0;
	_ =	sdelay $0x1  }
0x101: {  	v3 =	vadd.s32 v1, v3;
	_ =	sdelay $0x3  }
0x102: {  	s23 =	simm.s32 $0x8200  }
0x103: {  	[tilespmem:s23], [sflag:$0x1] =	stream.indirect_vreg.gather [hbm4b:s2+s3], $0x80, v3, vm0, $0xb8;
	[tilespmem:$0x1E200] =	vst v63  }
0x104: {  	s25 =	simm.s32 $0x8A00  }
0x105: {  	[tilespmem:s25], [sflag:$0x1] =	stream.indirect_vreg.gather [hbm4b:s5+s3], $0x80, v3, vm0, $0xb8;
	[tilespmem:$0x1E200] =	vst v63  }
0x106: {  	s23 =	simm.s32 $0x9200  }
0x107: {  	[tilespmem:s23], [sflag:$0x1] =	stream.indirect_vreg.gather [hbm4b:s6+s3], $0x80, v3, vm0, $0xb8;
	[tilespmem:$0x1E200] =	vst v63  }
0x108: {  	s11 =	simm.s32 $0x9A00  }
0x109: {  	[tilespmem:s11], [sflag:$0x1] =	stream.indirect_vreg.gather [hbm4b:s7+s3], $0x80, v3, vm0, $0xb8;
	[tilespmem:$0x1E200] =	vst v63  }
0x10a: {  	_ =	swait.ge [sflag:s26], $0xA000  }
0x10b: {  	[sflag:s26] =	ssyncset.done $0x0  }
0x10c: {  	s25 =	rddreg [dreg:$0x5];
	[sflag:s26] =	ssyncadd.s32 $0xFFFF6000  }
0x10d: {  	[hbm4b:s25+s3] =	stream.linear.scatter [tilespmem:s10], [sflag:$0x5], $0xA000, $0x38;
	[tilespmem:$0x1E200] =	vst v63  }
0x10e: {  	_ =	swait.ge [sflag:s28], $0xA000  }
0x10f: {  	[sflag:s28] =	ssyncset.done $0x0  }
0x110: {  	[sflag:s28] =	ssyncadd.s32 $0xFFFF6000  }
0x111: {  	v3 =	vld [tilespmem:$0xA0];
	_ =	sdelay $0x4  }
0x112: {  	v38 =	vshll.u32 v3, $0x3  }
0x113: {  	v3 =	vand.u32 $0x7, v3;
	v4 =	vand.u32 $0xFFFFFFC0, v38  }
0x114: {  	v3 =	vor.u32 v3, v4  }
0x115: {  	v4 =	vperm.xlane v3, v0;
	_ =	sdelay $0x1  }
0x116: {  	v4 =	vadd.s32 v1, v4;
	_ =	sdelay $0x4  }
0x117: {  	[tilespmem:s10], [sflag:$0x2] =	stream.indirect_vreg.gather [hbm4b:s2+s3], $0x80, v4, vm0, $0xb8;
	[tilespmem:$0x1E200] =	vst v63  }
0x118: {  	s11 =	simm.s32 $0xAA00;
	v3 =	vperm.xlane v3, v2  }
0x119: {  	[tilespmem:s11], [sflag:$0x2] =	stream.indirect_vreg.gather [hbm4b:s5+s3], $0x80, v4, vm0, $0xb8;
	[tilespmem:$0x1E200] =	vst v63  }
0x11a: {  	s23 =	simm.s32 $0xB200;
	v3 =	vadd.s32 v1, v3  }
0x11b: {  	[tilespmem:s23], [sflag:$0x2] =	stream.indirect_vreg.gather [hbm4b:s6+s3], $0x80, v4, vm0, $0xb8;
	[tilespmem:$0x1E200] =	vst v63  }
0x11c: {  	s25 =	simm.s32 $0xBA00  }
0x11d: {  	[tilespmem:s25], [sflag:$0x2] =	stream.indirect_vreg.gather [hbm4b:s7+s3], $0x80, v4, vm0, $0xb8;
	[tilespmem:$0x1E200] =	vst v63  }
0x11e: {  	s11 =	simm.s32 $0xC200  }
0x11f: {  	[tilespmem:s11], [sflag:$0x2] =	stream.indirect_vreg.gather [hbm4b:s2+s3], $0x80, v3, vm0, $0xb8;
	[tilespmem:$0x1E200] =	vst v63  }
0x120: {  	s23 =	simm.s32 $0xCA00  }
0x121: {  	[tilespmem:s23], [sflag:$0x2] =	stream.indirect_vreg.gather [hbm4b:s5+s3], $0x80, v3, vm0, $0xb8;
	[tilespmem:$0x1E200] =	vst v63  }
0x122: {  	s25 =	simm.s32 $0xD200  }
0x123: {  	[tilespmem:s25], [sflag:$0x2] =	stream.indirect_vreg.gather [hbm4b:s6+s3], $0x80, v3, vm0, $0xb8;
	[tilespmem:$0x1E200] =	vst v63  }
0x124: {  	s11 =	simm.s32 $0xDA00  }
0x125: {  	[tilespmem:s11], [sflag:$0x2] =	stream.indirect_vreg.gather [hbm4b:s7+s3], $0x80, v3, vm0, $0xb8;
	[tilespmem:$0x1E200] =	vst v63  }
0x126: {  	v3 =	vld [tilespmem:$0xB0];
	_ =	sdelay $0x4  }
0x127: {  	v39 =	vshll.u32 v3, $0x3  }
0x128: {  	v3 =	vand.u32 $0x7, v3;
	v4 =	vand.u32 $0xFFFFFFC0, v39  }
0x129: {  	v3 =	vor.u32 v3, v4  }
0x12a: {  	v4 =	vperm.xlane v3, v0;
	_ =	sdelay $0x1  }
0x12b: {  	v4 =	vadd.s32 v1, v4;
	_ =	sdelay $0x3  }
0x12c: {  	s23 =	simm.s32 $0xE200  }
0x12d: {  	[tilespmem:s23], [sflag:$0x2] =	stream.indirect_vreg.gather [hbm4b:s2+s3], $0x80, v4, vm0, $0xb8;
	[tilespmem:$0x1E200] =	vst v63  }
0x12e: {  	s25 =	simm.s32 $0xEA00;
	v3 =	vperm.xlane v3, v2  }
0x12f: {  	[tilespmem:s25], [sflag:$0x2] =	stream.indirect_vreg.gather [hbm4b:s5+s3], $0x80, v4, vm0, $0xb8;
	[tilespmem:$0x1E200] =	vst v63  }
0x130: {  	s11 =	simm.s32 $0xF200;
	v3 =	vadd.s32 v1, v3  }
0x131: {  	[tilespmem:s11], [sflag:$0x2] =	stream.indirect_vreg.gather [hbm4b:s6+s3], $0x80, v4, vm0, $0xb8;
	[tilespmem:$0x1E200] =	vst v63  }
0x132: {  	s23 =	simm.s32 $0xFA00  }
0x133: {  	[tilespmem:s23], [sflag:$0x2] =	stream.indirect_vreg.gather [hbm4b:s7+s3], $0x80, v4, vm0, $0xb8;
	[tilespmem:$0x1E200] =	vst v63  }
0x134: {  	s25 =	simm.s32 $0x10200  }
0x135: {  	[tilespmem:s25], [sflag:$0x2] =	stream.indirect_vreg.gather [hbm4b:s2+s3], $0x80, v3, vm0, $0xb8;
	[tilespmem:$0x1E200] =	vst v63  }
0x136: {  	s11 =	simm.s32 $0x10A00  }
0x137: {  	[tilespmem:s11], [sflag:$0x2] =	stream.indirect_vreg.gather [hbm4b:s5+s3], $0x80, v3, vm0, $0xb8;
	[tilespmem:$0x1E200] =	vst v63  }
0x138: {  	s23 =	simm.s32 $0x11200  }
0x139: {  	[tilespmem:s23], [sflag:$0x2] =	stream.indirect_vreg.gather [hbm4b:s6+s3], $0x80, v3, vm0, $0xb8;
	[tilespmem:$0x1E200] =	vst v63  }
0x13a: {  	s25 =	simm.s32 $0x11A00  }
0x13b: {  	[tilespmem:s25], [sflag:$0x2] =	stream.indirect_vreg.gather [hbm4b:s7+s3], $0x80, v3, vm0, $0xb8;
	[tilespmem:$0x1E200] =	vst v63  }
0x13c: {  	v3 =	vld.msk [tilespmem:$0xC0], $0xff;
	_ =	sdelay $0x4  }
0x13d: {  	v40 =	vshll.u32 v3, $0x3  }
0x13e: {  	v3 =	vand.u32 $0x7, v3;
	v4 =	vand.u32 $0xFFFFFFC0, v40  }
0x13f: {  	v3 =	vor.u32 v3, v4  }
0x140: {  	v3 =	vperm.xlane v3, v0;
	_ =	sdelay $0x1  }
0x141: {  	v3 =	vadd.s32 v1, v3;
	_ =	sdelay $0x3  }
0x142: {  	s11 =	simm.s32 $0x12200  }
0x143: {  	[tilespmem:s11], [sflag:$0x2] =	stream.indirect_vreg.gather [hbm4b:s2+s3], $0x80, v3, vm0, $0xb8;
	[tilespmem:$0x1E200] =	vst v63  }
0x144: {  	s23 =	simm.s32 $0x12A00  }
0x145: {  	[tilespmem:s23], [sflag:$0x2] =	stream.indirect_vreg.gather [hbm4b:s5+s3], $0x80, v3, vm0, $0xb8;
	[tilespmem:$0x1E200] =	vst v63  }
0x146: {  	s25 =	simm.s32 $0x13200  }
0x147: {  	[tilespmem:s25], [sflag:$0x2] =	stream.indirect_vreg.gather [hbm4b:s6+s3], $0x80, v3, vm0, $0xb8;
	[tilespmem:$0x1E200] =	vst v63  }
0x148: {  	s11 =	simm.s32 $0x13A00  }
0x149: {  	[tilespmem:s11], [sflag:$0x2] =	stream.indirect_vreg.gather [hbm4b:s7+s3], $0x80, v3, vm0, $0xb8;
	[tilespmem:$0x1E200] =	vst v63  }
0x14a: {  	_ =	swait.ge [sflag:s29], $0xA000  }
0x14b: {  	[sflag:s29] =	ssyncset.done $0x0  }
0x14c: {  	s23 =	rddreg [dreg:$0x6];
	[sflag:s29] =	ssyncadd.s32 $0xFFFF6000  }
0x14d: {  	[hbm4b:s23+s3] =	stream.linear.scatter [tilespmem:s9], [sflag:$0x6], $0xA000, $0x38;
	[tilespmem:$0x1E200] =	vst v63  }
0x14e: {  	_ =	swait.ge [sflag:s30], $0xA000  }
0x14f: {  	[sflag:s30] =	ssyncset.done $0x0  }
0x150: {  	[sflag:s30] =	ssyncadd.s32 $0xFFFF6000  }
0x151: {  	v3 =	vld [tilespmem:$0xC8];
	_ =	sdelay $0x4  }
0x152: {  	v41 =	vshll.u32 v3, $0x3  }
0x153: {  	v3 =	vand.u32 $0x7, v3;
	v4 =	vand.u32 $0xFFFFFFC0, v41  }
0x154: {  	v3 =	vor.u32 v3, v4  }
0x155: {  	v4 =	vperm.xlane v3, v0;
	_ =	sdelay $0x1  }
0x156: {  	v4 =	vadd.s32 v1, v4;
	_ =	sdelay $0x4  }
0x157: {  	[tilespmem:s9], [sflag:$0x3] =	stream.indirect_vreg.gather [hbm4b:s2+s3], $0x80, v4, vm0, $0xb8;
	[tilespmem:$0x1E200] =	vst v63  }
0x158: {  	s25 =	simm.s32 $0x14A00;
	v3 =	vperm.xlane v3, v2  }
0x159: {  	[tilespmem:s25], [sflag:$0x3] =	stream.indirect_vreg.gather [hbm4b:s5+s3], $0x80, v4, vm0, $0xb8;
	[tilespmem:$0x1E200] =	vst v63  }
0x15a: {  	s11 =	simm.s32 $0x15200;
	v3 =	vadd.s32 v1, v3  }
0x15b: {  	[tilespmem:s11], [sflag:$0x3] =	stream.indirect_vreg.gather [hbm4b:s6+s3], $0x80, v4, vm0, $0xb8;
	[tilespmem:$0x1E200] =	vst v63  }
0x15c: {  	s23 =	simm.s32 $0x15A00  }
0x15d: {  	[tilespmem:s23], [sflag:$0x3] =	stream.indirect_vreg.gather [hbm4b:s7+s3], $0x80, v4, vm0, $0xb8;
	[tilespmem:$0x1E200] =	vst v63  }
0x15e: {  	s25 =	simm.s32 $0x16200  }
0x15f: {  	[tilespmem:s25], [sflag:$0x3] =	stream.indirect_vreg.gather [hbm4b:s2+s3], $0x80, v3, vm0, $0xb8;
	[tilespmem:$0x1E200] =	vst v63  }
0x160: {  	s11 =	simm.s32 $0x16A00  }
0x161: {  	[tilespmem:s11], [sflag:$0x3] =	stream.indirect_vreg.gather [hbm4b:s5+s3], $0x80, v3, vm0, $0xb8;
	[tilespmem:$0x1E200] =	vst v63  }
0x162: {  	s23 =	simm.s32 $0x17200  }
0x163: {  	[tilespmem:s23], [sflag:$0x3] =	stream.indirect_vreg.gather [hbm4b:s6+s3], $0x80, v3, vm0, $0xb8;
	[tilespmem:$0x1E200] =	vst v63  }
0x164: {  	s25 =	simm.s32 $0x17A00  }
0x165: {  	[tilespmem:s25], [sflag:$0x3] =	stream.indirect_vreg.gather [hbm4b:s7+s3], $0x80, v3, vm0, $0xb8;
	[tilespmem:$0x1E200] =	vst v63  }
0x166: {  	v3 =	vld [tilespmem:$0xD8];
	_ =	sdelay $0x4  }
0x167: {  	v42 =	vshll.u32 v3, $0x3  }
0x168: {  	v3 =	vand.u32 $0x7, v3;
	v4 =	vand.u32 $0xFFFFFFC0, v42  }
0x169: {  	v3 =	vor.u32 v3, v4  }
0x16a: {  	v4 =	vperm.xlane v3, v0;
	_ =	sdelay $0x1  }
0x16b: {  	v4 =	vadd.s32 v1, v4;
	_ =	sdelay $0x3  }
0x16c: {  	s11 =	simm.s32 $0x18200  }
0x16d: {  	[tilespmem:s11], [sflag:$0x3] =	stream.indirect_vreg.gather [hbm4b:s2+s3], $0x80, v4, vm0, $0xb8;
	[tilespmem:$0x1E200] =	vst v63  }
0x16e: {  	s23 =	simm.s32 $0x18A00;
	v3 =	vperm.xlane v3, v2  }
0x16f: {  	[tilespmem:s23], [sflag:$0x3] =	stream.indirect_vreg.gather [hbm4b:s5+s3], $0x80, v4, vm0, $0xb8;
	[tilespmem:$0x1E200] =	vst v63  }
0x170: {  	s25 =	simm.s32 $0x19200;
	v3 =	vadd.s32 v1, v3  }
0x171: {  	[tilespmem:s25], [sflag:$0x3] =	stream.indirect_vreg.gather [hbm4b:s6+s3], $0x80, v4, vm0, $0xb8;
	[tilespmem:$0x1E200] =	vst v63  }
0x172: {  	s11 =	simm.s32 $0x19A00  }
0x173: {  	[tilespmem:s11], [sflag:$0x3] =	stream.indirect_vreg.gather [hbm4b:s7+s3], $0x80, v4, vm0, $0xb8;
	[tilespmem:$0x1E200] =	vst v63  }
0x174: {  	s23 =	simm.s32 $0x1A200  }
0x175: {  	[tilespmem:s23], [sflag:$0x3] =	stream.indirect_vreg.gather [hbm4b:s2+s3], $0x80, v3, vm0, $0xb8;
	[tilespmem:$0x1E200] =	vst v63  }
0x176: {  	s25 =	simm.s32 $0x1AA00  }
0x177: {  	[tilespmem:s25], [sflag:$0x3] =	stream.indirect_vreg.gather [hbm4b:s5+s3], $0x80, v3, vm0, $0xb8;
	[tilespmem:$0x1E200] =	vst v63  }
0x178: {  	s11 =	simm.s32 $0x1B200  }
0x179: {  	[tilespmem:s11], [sflag:$0x3] =	stream.indirect_vreg.gather [hbm4b:s6+s3], $0x80, v3, vm0, $0xb8;
	[tilespmem:$0x1E200] =	vst v63  }
0x17a: {  	s23 =	simm.s32 $0x1BA00  }
0x17b: {  	[tilespmem:s23], [sflag:$0x3] =	stream.indirect_vreg.gather [hbm4b:s7+s3], $0x80, v3, vm0, $0xb8;
	[tilespmem:$0x1E200] =	vst v63  }
0x17c: {  	v3 =	vld.msk [tilespmem:$0xE8], $0xff;
	_ =	sdelay $0x4  }
0x17d: {  	v43 =	vshll.u32 v3, $0x3  }
0x17e: {  	v3 =	vand.u32 $0x7, v3;
	v4 =	vand.u32 $0xFFFFFFC0, v43  }
0x17f: {  	v3 =	vor.u32 v3, v4  }
0x180: {  	v3 =	vperm.xlane v3, v0;
	_ =	sdelay $0x1  }
0x181: {  	v3 =	vadd.s32 v1, v3;
	_ =	sdelay $0x3  }
0x182: {  	s25 =	simm.s32 $0x1C200  }
0x183: {  	[tilespmem:s25], [sflag:$0x3] =	stream.indirect_vreg.gather [hbm4b:s2+s3], $0x80, v3, vm0, $0xb8;
	[tilespmem:$0x1E200] =	vst v63  }
0x184: {  	s11 =	simm.s32 $0x1CA00  }
0x185: {  	[tilespmem:s11], [sflag:$0x3] =	stream.indirect_vreg.gather [hbm4b:s5+s3], $0x80, v3, vm0, $0xb8;
	[tilespmem:$0x1E200] =	vst v63  }
0x186: {  	s23 =	simm.s32 $0x1D200  }
0x187: {  	[tilespmem:s23], [sflag:$0x3] =	stream.indirect_vreg.gather [hbm4b:s6+s3], $0x80, v3, vm0, $0xb8;
	[tilespmem:$0x1E200] =	vst v63  }
0x188: {  	s25 =	simm.s32 $0x1DA00  }
0x189: {  	[tilespmem:s25], [sflag:$0x3] =	stream.indirect_vreg.gather [hbm4b:s7+s3], $0x80, v3, vm0, $0xb8;
	[tilespmem:$0x1E200] =	vst v63  }
0x18a: {  	_ =	swait.ge [sflag:s1], $0xA000  }
0x18b: {  	[sflag:s1] =	ssyncset.done $0x0  }
0x18c: {  	s11 =	rddreg [dreg:$0x7];
	[sflag:s1] =	ssyncadd.s32 $0xFFFF6000  }
0x18d: {  	[hbm4b:s11+s3] =	stream.linear.scatter [tilespmem:s15], [sflag:$0x4], $0xA000, $0x38;
	[tilespmem:$0x1E200] =	vst v63  }
0x18e: {  	_ =	swait.ge [sflag:s4], $0xA000  }
0x18f: {  	[sflag:s4] =	ssyncset.done $0x0  }
0x190: {  	[sflag:s4] =	ssyncadd.s32 $0xFFFF6000  }
0x191: {  	v3 =	vld [tilespmem:$0xF0];
	_ =	sdelay $0x4  }
0x192: {  	v44 =	vshll.u32 v3, $0x3  }
0x193: {  	v3 =	vand.u32 $0x7, v3;
	v4 =	vand.u32 $0xFFFFFFC0, v44  }
0x194: {  	v3 =	vor.u32 v3, v4  }
0x195: {  	v4 =	vperm.xlane v3, v0;
	_ =	sdelay $0x1  }
0x196: {  	v4 =	vadd.s32 v1, v4;
	_ =	sdelay $0x4  }
0x197: {  	[tilespmem:s15], [sflag:$0x1] =	stream.indirect_vreg.gather [hbm4b:s2+s3], $0x80, v4, vm0, $0xb8;
	[tilespmem:$0x1E200] =	vst v63  }
0x198: {  	s23 =	simm.s32 $0xA00;
	v3 =	vperm.xlane v3, v2  }
0x199: {  	[tilespmem:s23], [sflag:$0x1] =	stream.indirect_vreg.gather [hbm4b:s5+s3], $0x80, v4, vm0, $0xb8;
	[tilespmem:$0x1E200] =	vst v63  }
0x19a: {  	s24 =	simm.s32 $0x1200;
	v3 =	vadd.s32 v1, v3  }
0x19b: {  	[tilespmem:s24], [sflag:$0x1] =	stream.indirect_vreg.gather [hbm4b:s6+s3], $0x80, v4, vm0, $0xb8;
	[tilespmem:$0x1E200] =	vst v63  }
0x19c: {  	s25 =	simm.s32 $0x1A00  }
0x19d: {  	[tilespmem:s25], [sflag:$0x1] =	stream.indirect_vreg.gather [hbm4b:s7+s3], $0x80, v4, vm0, $0xb8;
	[tilespmem:$0x1E200] =	vst v63  }
0x19e: {  	s11 =	simm.s32 $0x2200  }
0x19f: {  	[tilespmem:s11], [sflag:$0x1] =	stream.indirect_vreg.gather [hbm4b:s2+s3], $0x80, v3, vm0, $0xb8;
	[tilespmem:$0x1E200] =	vst v63  }
0x1a0: {  	s17 =	simm.s32 $0x2A00  }
0x1a1: {  	[tilespmem:s17], [sflag:$0x1] =	stream.indirect_vreg.gather [hbm4b:s5+s3], $0x80, v3, vm0, $0xb8;
	[tilespmem:$0x1E200] =	vst v63  }
0x1a2: {  	s18 =	simm.s32 $0x3200  }
0x1a3: {  	[tilespmem:s18], [sflag:$0x1] =	stream.indirect_vreg.gather [hbm4b:s6+s3], $0x80, v3, vm0, $0xb8;
	[tilespmem:$0x1E200] =	vst v63  }
0x1a4: {  	s16 =	simm.s32 $0x3A00  }
0x1a5: {  	[tilespmem:s16], [sflag:$0x1] =	stream.indirect_vreg.gather [hbm4b:s7+s3], $0x80, v3, vm0, $0xb8;
	[tilespmem:$0x1E200] =	vst v63  }
0x1a6: {  	v3 =	vld [tilespmem:$0x100];
	_ =	sdelay $0x4  }
0x1a7: {  	v45 =	vshll.u32 v3, $0x3  }
0x1a8: {  	v3 =	vand.u32 $0x7, v3;
	v4 =	vand.u32 $0xFFFFFFC0, v45  }
0x1a9: {  	v3 =	vor.u32 v3, v4  }
0x1aa: {  	v4 =	vperm.xlane v3, v0;
	_ =	sdelay $0x1  }
0x1ab: {  	v4 =	vadd.s32 v1, v4;
	_ =	sdelay $0x3  }
0x1ac: {  	s31 =	simm.s32 $0x4200  }
0x1ad: {  	[tilespmem:s31], [sflag:$0x1] =	stream.indirect_vreg.gather [hbm4b:s2+s3], $0x80, v4, vm0, $0xb8;
	[tilespmem:$0x1E200] =	vst v63  }
0x1ae: {  	s13 =	simm.s32 $0x4A00;
	v3 =	vperm.xlane v3, v2  }
0x1af: {  	[tilespmem:s13], [sflag:$0x1] =	stream.indirect_vreg.gather [hbm4b:s5+s3], $0x80, v4, vm0, $0xb8;
	[tilespmem:$0x1E200] =	vst v63  }
0x1b0: {  	s12 =	simm.s32 $0x5200;
	v3 =	vadd.s32 v1, v3  }
0x1b1: {  	[tilespmem:s12], [sflag:$0x1] =	stream.indirect_vreg.gather [hbm4b:s6+s3], $0x80, v4, vm0, $0xb8;
	[tilespmem:$0x1E200] =	vst v63  }
0x1b2: {  	s19 =	simm.s32 $0x5A00  }
0x1b3: {  	[tilespmem:s19], [sflag:$0x1] =	stream.indirect_vreg.gather [hbm4b:s7+s3], $0x80, v4, vm0, $0xb8;
	[tilespmem:$0x1E200] =	vst v63  }
0x1b4: {  	s20 =	simm.s32 $0x6200  }
0x1b5: {  	[tilespmem:s20], [sflag:$0x1] =	stream.indirect_vreg.gather [hbm4b:s2+s3], $0x80, v3, vm0, $0xb8;
	[tilespmem:$0x1E200] =	vst v63  }
0x1b6: {  	s21 =	simm.s32 $0x6A00  }
0x1b7: {  	[tilespmem:s21], [sflag:$0x1] =	stream.indirect_vreg.gather [hbm4b:s5+s3], $0x80, v3, vm0, $0xb8;
	[tilespmem:$0x1E200] =	vst v63  }
0x1b8: {  	s22 =	simm.s32 $0x7200  }
0x1b9: {  	[tilespmem:s22], [sflag:$0x1] =	stream.indirect_vreg.gather [hbm4b:s6+s3], $0x80, v3, vm0, $0xb8;
	[tilespmem:$0x1E200] =	vst v63  }
0x1ba: {  	s14 =	simm.s32 $0x7A00  }
0x1bb: {  	[tilespmem:s14], [sflag:$0x1] =	stream.indirect_vreg.gather [hbm4b:s7+s3], $0x80, v3, vm0, $0xb8;
	[tilespmem:$0x1E200] =	vst v63  }
0x1bc: {  	v3 =	vld.msk [tilespmem:$0x110], $0xff;
	_ =	sdelay $0x4  }
0x1bd: {  	v46 =	vshll.u32 v3, $0x3  }
0x1be: {  	v3 =	vand.u32 $0x7, v3;
	v4 =	vand.u32 $0xFFFFFFC0, v46  }
0x1bf: {  	v3 =	vor.u32 v3, v4  }
0x1c0: {  	v3 =	vperm.xlane v3, v0;
	_ =	sdelay $0x1  }
0x1c1: {  	v3 =	vadd.s32 v1, v3;
	_ =	sdelay $0x3  }
0x1c2: {  	s20 =	simm.s32 $0x8200  }
0x1c3: {  	[tilespmem:s20], [sflag:$0x1] =	stream.indirect_vreg.gather [hbm4b:s2+s3], $0x80, v3, vm0, $0xb8;
	[tilespmem:$0x1E200] =	vst v63  }
0x1c4: {  	s22 =	simm.s32 $0x8A00  }
0x1c5: {  	[tilespmem:s22], [sflag:$0x1] =	stream.indirect_vreg.gather [hbm4b:s5+s3], $0x80, v3, vm0, $0xb8;
	[tilespmem:$0x1E200] =	vst v63  }
0x1c6: {  	s14 =	simm.s32 $0x9200  }
0x1c7: {  	[tilespmem:s14], [sflag:$0x1] =	stream.indirect_vreg.gather [hbm4b:s6+s3], $0x80, v3, vm0, $0xb8;
	[tilespmem:$0x1E200] =	vst v63  }
0x1c8: {  	s19 =	simm.s32 $0x9A00  }
0x1c9: {  	[tilespmem:s19], [sflag:$0x1] =	stream.indirect_vreg.gather [hbm4b:s7+s3], $0x80, v3, vm0, $0xb8;
	[tilespmem:$0x1E200] =	vst v63  }
0x1ca: {  	_ =	swait.ge [sflag:s26], $0xA000  }
0x1cb: {  	[sflag:s26] =	ssyncset.done $0x0  }
0x1cc: {  	s20 =	rddreg [dreg:$0x8];
	[sflag:s26] =	ssyncadd.s32 $0xFFFF6000  }
0x1cd: {  	[hbm4b:s20+s3] =	stream.linear.scatter [tilespmem:s10], [sflag:$0x5], $0xA000, $0x38;
	[tilespmem:$0x1E200] =	vst v63  }
0x1ce: {  	_ =	swait.ge [sflag:s28], $0xA000  }
0x1cf: {  	[sflag:s28] =	ssyncset.done $0x0  }
0x1d0: {  	[sflag:s28] =	ssyncadd.s32 $0xFFFF6000  }
0x1d1: {  	v3 =	vld [tilespmem:$0x118];
	_ =	sdelay $0x4  }
0x1d2: {  	v47 =	vshll.u32 v3, $0x3  }
0x1d3: {  	v3 =	vand.u32 $0x7, v3;
	v4 =	vand.u32 $0xFFFFFFC0, v47  }
0x1d4: {  	v3 =	vor.u32 v3, v4  }
0x1d5: {  	v4 =	vperm.xlane v3, v0;
	_ =	sdelay $0x1  }
0x1d6: {  	v4 =	vadd.s32 v1, v4;
	_ =	sdelay $0x4  }
0x1d7: {  	[tilespmem:s10], [sflag:$0x2] =	stream.indirect_vreg.gather [hbm4b:s2+s3], $0x80, v4, vm0, $0xb8;
	[tilespmem:$0x1E200] =	vst v63  }
0x1d8: {  	s22 =	simm.s32 $0xAA00;
	v3 =	vperm.xlane v3, v2  }
0x1d9: {  	[tilespmem:s22], [sflag:$0x2] =	stream.indirect_vreg.gather [hbm4b:s5+s3], $0x80, v4, vm0, $0xb8;
	[tilespmem:$0x1E200] =	vst v63  }
0x1da: {  	s14 =	simm.s32 $0xB200;
	v3 =	vadd.s32 v1, v3  }
0x1db: {  	[tilespmem:s14], [sflag:$0x2] =	stream.indirect_vreg.gather [hbm4b:s6+s3], $0x80, v4, vm0, $0xb8;
	[tilespmem:$0x1E200] =	vst v63  }
0x1dc: {  	s19 =	simm.s32 $0xBA00  }
0x1dd: {  	[tilespmem:s19], [sflag:$0x2] =	stream.indirect_vreg.gather [hbm4b:s7+s3], $0x80, v4, vm0, $0xb8;
	[tilespmem:$0x1E200] =	vst v63  }
0x1de: {  	s20 =	simm.s32 $0xC200  }
0x1df: {  	[tilespmem:s20], [sflag:$0x2] =	stream.indirect_vreg.gather [hbm4b:s2+s3], $0x80, v3, vm0, $0xb8;
	[tilespmem:$0x1E200] =	vst v63  }
0x1e0: {  	s22 =	simm.s32 $0xCA00  }
0x1e1: {  	[tilespmem:s22], [sflag:$0x2] =	stream.indirect_vreg.gather [hbm4b:s5+s3], $0x80, v3, vm0, $0xb8;
	[tilespmem:$0x1E200] =	vst v63  }
0x1e2: {  	s14 =	simm.s32 $0xD200  }
0x1e3: {  	[tilespmem:s14], [sflag:$0x2] =	stream.indirect_vreg.gather [hbm4b:s6+s3], $0x80, v3, vm0, $0xb8;
	[tilespmem:$0x1E200] =	vst v63  }
0x1e4: {  	s19 =	simm.s32 $0xDA00  }
0x1e5: {  	[tilespmem:s19], [sflag:$0x2] =	stream.indirect_vreg.gather [hbm4b:s7+s3], $0x80, v3, vm0, $0xb8;
	[tilespmem:$0x1E200] =	vst v63  }
0x1e6: {  	v3 =	vld [tilespmem:$0x128];
	_ =	sdelay $0x4  }
0x1e7: {  	v48 =	vshll.u32 v3, $0x3  }
0x1e8: {  	v3 =	vand.u32 $0x7, v3;
	v4 =	vand.u32 $0xFFFFFFC0, v48  }
0x1e9: {  	v3 =	vor.u32 v3, v4  }
0x1ea: {  	v4 =	vperm.xlane v3, v0;
	_ =	sdelay $0x1  }
0x1eb: {  	v4 =	vadd.s32 v1, v4;
	_ =	sdelay $0x3  }
0x1ec: {  	s20 =	simm.s32 $0xE200  }
0x1ed: {  	[tilespmem:s20], [sflag:$0x2] =	stream.indirect_vreg.gather [hbm4b:s2+s3], $0x80, v4, vm0, $0xb8;
	[tilespmem:$0x1E200] =	vst v63  }
0x1ee: {  	s22 =	simm.s32 $0xEA00;
	v3 =	vperm.xlane v3, v2  }
0x1ef: {  	[tilespmem:s22], [sflag:$0x2] =	stream.indirect_vreg.gather [hbm4b:s5+s3], $0x80, v4, vm0, $0xb8;
	[tilespmem:$0x1E200] =	vst v63  }
0x1f0: {  	s14 =	simm.s32 $0xF200;
	v3 =	vadd.s32 v1, v3  }
0x1f1: {  	[tilespmem:s14], [sflag:$0x2] =	stream.indirect_vreg.gather [hbm4b:s6+s3], $0x80, v4, vm0, $0xb8;
	[tilespmem:$0x1E200] =	vst v63  }
0x1f2: {  	s19 =	simm.s32 $0xFA00  }
0x1f3: {  	[tilespmem:s19], [sflag:$0x2] =	stream.indirect_vreg.gather [hbm4b:s7+s3], $0x80, v4, vm0, $0xb8;
	[tilespmem:$0x1E200] =	vst v63  }
0x1f4: {  	s20 =	simm.s32 $0x10200  }
0x1f5: {  	[tilespmem:s20], [sflag:$0x2] =	stream.indirect_vreg.gather [hbm4b:s2+s3], $0x80, v3, vm0, $0xb8;
	[tilespmem:$0x1E200] =	vst v63  }
0x1f6: {  	s22 =	simm.s32 $0x10A00  }
0x1f7: {  	[tilespmem:s22], [sflag:$0x2] =	stream.indirect_vreg.gather [hbm4b:s5+s3], $0x80, v3, vm0, $0xb8;
	[tilespmem:$0x1E200] =	vst v63  }
0x1f8: {  	s14 =	simm.s32 $0x11200  }
0x1f9: {  	[tilespmem:s14], [sflag:$0x2] =	stream.indirect_vreg.gather [hbm4b:s6+s3], $0x80, v3, vm0, $0xb8;
	[tilespmem:$0x1E200] =	vst v63  }
0x1fa: {  	s19 =	simm.s32 $0x11A00  }
0x1fb: {  	[tilespmem:s19], [sflag:$0x2] =	stream.indirect_vreg.gather [hbm4b:s7+s3], $0x80, v3, vm0, $0xb8;
	[tilespmem:$0x1E200] =	vst v63  }
0x1fc: {  	v3 =	vld.msk [tilespmem:$0x138], $0xff;
	_ =	sdelay $0x4  }
0x1fd: {  	v49 =	vshll.u32 v3, $0x3  }
0x1fe: {  	v3 =	vand.u32 $0x7, v3;
	v4 =	vand.u32 $0xFFFFFFC0, v49  }
0x1ff: {  	v3 =	vor.u32 v3, v4  }
0x200: {  	v3 =	vperm.xlane v3, v0;
	_ =	sdelay $0x1  }
0x201: {  	v3 =	vadd.s32 v1, v3;
	_ =	sdelay $0x3  }
0x202: {  	s20 =	simm.s32 $0x12200  }
0x203: {  	[tilespmem:s20], [sflag:$0x2] =	stream.indirect_vreg.gather [hbm4b:s2+s3], $0x80, v3, vm0, $0xb8;
	[tilespmem:$0x1E200] =	vst v63  }
0x204: {  	s22 =	simm.s32 $0x12A00  }
0x205: {  	[tilespmem:s22], [sflag:$0x2] =	stream.indirect_vreg.gather [hbm4b:s5+s3], $0x80, v3, vm0, $0xb8;
	[tilespmem:$0x1E200] =	vst v63  }
0x206: {  	s14 =	simm.s32 $0x13200  }
0x207: {  	[tilespmem:s14], [sflag:$0x2] =	stream.indirect_vreg.gather [hbm4b:s6+s3], $0x80, v3, vm0, $0xb8;
	[tilespmem:$0x1E200] =	vst v63  }
0x208: {  	s19 =	simm.s32 $0x13A00  }
0x209: {  	[tilespmem:s19], [sflag:$0x2] =	stream.indirect_vreg.gather [hbm4b:s7+s3], $0x80, v3, vm0, $0xb8;
	[tilespmem:$0x1E200] =	vst v63  }
0x20a: {  	_ =	swait.ge [sflag:s29], $0xA000  }
0x20b: {  	[sflag:s29] =	ssyncset.done $0x0  }
0x20c: {  	s20 =	rddreg [dreg:$0x9];
	[sflag:s29] =	ssyncadd.s32 $0xFFFF6000  }
0x20d: {  	[hbm4b:s20+s3] =	stream.linear.scatter [tilespmem:s9], [sflag:$0x6], $0xA000, $0x38;
	[tilespmem:$0x1E200] =	vst v63  }
0x20e: {  	_ =	swait.ge [sflag:s30], $0xA000  }
0x20f: {  	[sflag:s30] =	ssyncset.done $0x0  }
0x210: {  	[sflag:s30] =	ssyncadd.s32 $0xFFFF6000  }
0x211: {  	v3 =	vld [tilespmem:$0x140];
	_ =	sdelay $0x4  }
0x212: {  	v50 =	vshll.u32 v3, $0x3  }
0x213: {  	v3 =	vand.u32 $0x7, v3;
	v4 =	vand.u32 $0xFFFFFFC0, v50  }
0x214: {  	v3 =	vor.u32 v3, v4  }
0x215: {  	v4 =	vperm.xlane v3, v0;
	_ =	sdelay $0x1  }
0x216: {  	v4 =	vadd.s32 v1, v4;
	_ =	sdelay $0x4  }
0x217: {  	[tilespmem:s9], [sflag:$0x3] =	stream.indirect_vreg.gather [hbm4b:s2+s3], $0x80, v4, vm0, $0xb8;
	[tilespmem:$0x1E200] =	vst v63  }
0x218: {  	s22 =	simm.s32 $0x14A00;
	v3 =	vperm.xlane v3, v2  }
0x219: {  	[tilespmem:s22], [sflag:$0x3] =	stream.indirect_vreg.gather [hbm4b:s5+s3], $0x80, v4, vm0, $0xb8;
	[tilespmem:$0x1E200] =	vst v63  }
0x21a: {  	s14 =	simm.s32 $0x15200;
	v3 =	vadd.s32 v1, v3  }
0x21b: {  	[tilespmem:s14], [sflag:$0x3] =	stream.indirect_vreg.gather [hbm4b:s6+s3], $0x80, v4, vm0, $0xb8;
	[tilespmem:$0x1E200] =	vst v63  }
0x21c: {  	s19 =	simm.s32 $0x15A00  }
0x21d: {  	[tilespmem:s19], [sflag:$0x3] =	stream.indirect_vreg.gather [hbm4b:s7+s3], $0x80, v4, vm0, $0xb8;
	[tilespmem:$0x1E200] =	vst v63  }
0x21e: {  	s20 =	simm.s32 $0x16200  }
0x21f: {  	[tilespmem:s20], [sflag:$0x3] =	stream.indirect_vreg.gather [hbm4b:s2+s3], $0x80, v3, vm0, $0xb8;
	[tilespmem:$0x1E200] =	vst v63  }
0x220: {  	s22 =	simm.s32 $0x16A00  }
0x221: {  	[tilespmem:s22], [sflag:$0x3] =	stream.indirect_vreg.gather [hbm4b:s5+s3], $0x80, v3, vm0, $0xb8;
	[tilespmem:$0x1E200] =	vst v63  }
0x222: {  	s14 =	simm.s32 $0x17200  }
0x223: {  	[tilespmem:s14], [sflag:$0x3] =	stream.indirect_vreg.gather [hbm4b:s6+s3], $0x80, v3, vm0, $0xb8;
	[tilespmem:$0x1E200] =	vst v63  }
0x224: {  	s19 =	simm.s32 $0x17A00  }
0x225: {  	[tilespmem:s19], [sflag:$0x3] =	stream.indirect_vreg.gather [hbm4b:s7+s3], $0x80, v3, vm0, $0xb8;
	[tilespmem:$0x1E200] =	vst v63  }
0x226: {  	v3 =	vld [tilespmem:$0x150];
	_ =	sdelay $0x4  }
0x227: {  	v51 =	vshll.u32 v3, $0x3  }
0x228: {  	v3 =	vand.u32 $0x7, v3;
	v4 =	vand.u32 $0xFFFFFFC0, v51  }
0x229: {  	v3 =	vor.u32 v3, v4  }
0x22a: {  	v4 =	vperm.xlane v3, v0;
	_ =	sdelay $0x1  }
0x22b: {  	v4 =	vadd.s32 v1, v4;
	_ =	sdelay $0x3  }
0x22c: {  	s20 =	simm.s32 $0x18200  }
0x22d: {  	[tilespmem:s20], [sflag:$0x3] =	stream.indirect_vreg.gather [hbm4b:s2+s3], $0x80, v4, vm0, $0xb8;
	[tilespmem:$0x1E200] =	vst v63  }
0x22e: {  	s22 =	simm.s32 $0x18A00;
	v3 =	vperm.xlane v3, v2  }
0x22f: {  	[tilespmem:s22], [sflag:$0x3] =	stream.indirect_vreg.gather [hbm4b:s5+s3], $0x80, v4, vm0, $0xb8;
	[tilespmem:$0x1E200] =	vst v63  }
0x230: {  	s14 =	simm.s32 $0x19200;
	v3 =	vadd.s32 v1, v3  }
0x231: {  	[tilespmem:s14], [sflag:$0x3] =	stream.indirect_vreg.gather [hbm4b:s6+s3], $0x80, v4, vm0, $0xb8;
	[tilespmem:$0x1E200] =	vst v63  }
0x232: {  	s19 =	simm.s32 $0x19A00  }
0x233: {  	[tilespmem:s19], [sflag:$0x3] =	stream.indirect_vreg.gather [hbm4b:s7+s3], $0x80, v4, vm0, $0xb8;
	[tilespmem:$0x1E200] =	vst v63  }
0x234: {  	s20 =	simm.s32 $0x1A200  }
0x235: {  	[tilespmem:s20], [sflag:$0x3] =	stream.indirect_vreg.gather [hbm4b:s2+s3], $0x80, v3, vm0, $0xb8;
	[tilespmem:$0x1E200] =	vst v63  }
0x236: {  	s22 =	simm.s32 $0x1AA00  }
0x237: {  	[tilespmem:s22], [sflag:$0x3] =	stream.indirect_vreg.gather [hbm4b:s5+s3], $0x80, v3, vm0, $0xb8;
	[tilespmem:$0x1E200] =	vst v63  }
0x238: {  	s14 =	simm.s32 $0x1B200  }
0x239: {  	[tilespmem:s14], [sflag:$0x3] =	stream.indirect_vreg.gather [hbm4b:s6+s3], $0x80, v3, vm0, $0xb8;
	[tilespmem:$0x1E200] =	vst v63  }
0x23a: {  	s19 =	simm.s32 $0x1BA00  }
0x23b: {  	[tilespmem:s19], [sflag:$0x3] =	stream.indirect_vreg.gather [hbm4b:s7+s3], $0x80, v3, vm0, $0xb8;
	[tilespmem:$0x1E200] =	vst v63  }
0x23c: {  	v3 =	vld.msk [tilespmem:$0x160], $0xff;
	_ =	sdelay $0x4  }
0x23d: {  	v52 =	vshll.u32 v3, $0x3  }
0x23e: {  	v3 =	vand.u32 $0x7, v3;
	v4 =	vand.u32 $0xFFFFFFC0, v52  }
0x23f: {  	v3 =	vor.u32 v3, v4  }
0x240: {  	v3 =	vperm.xlane v3, v0;
	_ =	sdelay $0x1  }
0x241: {  	v3 =	vadd.s32 v1, v3;
	_ =	sdelay $0x3  }
0x242: {  	s20 =	simm.s32 $0x1C200  }
0x243: {  	[tilespmem:s20], [sflag:$0x3] =	stream.indirect_vreg.gather [hbm4b:s2+s3], $0x80, v3, vm0, $0xb8;
	[tilespmem:$0x1E200] =	vst v63  }
0x244: {  	s22 =	simm.s32 $0x1CA00  }
0x245: {  	[tilespmem:s22], [sflag:$0x3] =	stream.indirect_vreg.gather [hbm4b:s5+s3], $0x80, v3, vm0, $0xb8;
	[tilespmem:$0x1E200] =	vst v63  }
0x246: {  	s14 =	simm.s32 $0x1D200  }
0x247: {  	[tilespmem:s14], [sflag:$0x3] =	stream.indirect_vreg.gather [hbm4b:s6+s3], $0x80, v3, vm0, $0xb8;
	[tilespmem:$0x1E200] =	vst v63  }
0x248: {  	s19 =	simm.s32 $0x1DA00  }
0x249: {  	[tilespmem:s19], [sflag:$0x3] =	stream.indirect_vreg.gather [hbm4b:s7+s3], $0x80, v3, vm0, $0xb8;
	[tilespmem:$0x1E200] =	vst v63  }
0x24a: {  	_ =	swait.ge [sflag:s1], $0xA000  }
0x24b: {  	[sflag:s1] =	ssyncset.done $0x0  }
0x24c: {  	s20 =	rddreg [dreg:$0xa];
	[sflag:s1] =	ssyncadd.s32 $0xFFFF6000  }
0x24d: {  	[hbm4b:s20+s3] =	stream.linear.scatter [tilespmem:s15], [sflag:$0x4], $0xA000, $0x38;
	[tilespmem:$0x1E200] =	vst v63  }
0x24e: {  	_ =	swait.ge [sflag:s4], $0xA000  }
0x24f: {  	[sflag:s4] =	ssyncset.done $0x0  }
0x250: {  	[sflag:s4] =	ssyncadd.s32 $0xFFFF6000  }
0x251: {  	v3 =	vld [tilespmem:$0x168];
	_ =	sdelay $0x4  }
0x252: {  	v53 =	vshll.u32 v3, $0x3  }
0x253: {  	v3 =	vand.u32 $0x7, v3;
	v4 =	vand.u32 $0xFFFFFFC0, v53  }
0x254: {  	v3 =	vor.u32 v3, v4  }
0x255: {  	v4 =	vperm.xlane v3, v0;
	_ =	sdelay $0x1  }
0x256: {  	v4 =	vadd.s32 v1, v4;
	_ =	sdelay $0x4  }
0x257: {  	[tilespmem:s15], [sflag:$0x1] =	stream.indirect_vreg.gather [hbm4b:s2+s3], $0x80, v4, vm0, $0xb8;
	[tilespmem:$0x1E200] =	vst v63  }
0x258: {  	s22 =	simm.s32 $0xA00;
	v3 =	vperm.xlane v3, v2  }
0x259: {  	[tilespmem:s22], [sflag:$0x1] =	stream.indirect_vreg.gather [hbm4b:s5+s3], $0x80, v4, vm0, $0xb8;
	[tilespmem:$0x1E200] =	vst v63  }
0x25a: {  	s24 =	simm.s32 $0x1200;
	v3 =	vadd.s32 v1, v3  }
0x25b: {  	[tilespmem:s24], [sflag:$0x1] =	stream.indirect_vreg.gather [hbm4b:s6+s3], $0x80, v4, vm0, $0xb8;
	[tilespmem:$0x1E200] =	vst v63  }
0x25c: {  	s14 =	simm.s32 $0x1A00  }
0x25d: {  	[tilespmem:s14], [sflag:$0x1] =	stream.indirect_vreg.gather [hbm4b:s7+s3], $0x80, v4, vm0, $0xb8;
	[tilespmem:$0x1E200] =	vst v63  }
0x25e: {  	s11 =	simm.s32 $0x2200  }
0x25f: {  	[tilespmem:s11], [sflag:$0x1] =	stream.indirect_vreg.gather [hbm4b:s2+s3], $0x80, v3, vm0, $0xb8;
	[tilespmem:$0x1E200] =	vst v63  }
0x260: {  	s25 =	simm.s32 $0x2A00  }
0x261: {  	[tilespmem:s25], [sflag:$0x1] =	stream.indirect_vreg.gather [hbm4b:s5+s3], $0x80, v3, vm0, $0xb8;
	[tilespmem:$0x1E200] =	vst v63  }
0x262: {  	s18 =	simm.s32 $0x3200  }
0x263: {  	[tilespmem:s18], [sflag:$0x1] =	stream.indirect_vreg.gather [hbm4b:s6+s3], $0x80, v3, vm0, $0xb8;
	[tilespmem:$0x1E200] =	vst v63  }
0x264: {  	s16 =	simm.s32 $0x3A00  }
0x265: {  	[tilespmem:s16], [sflag:$0x1] =	stream.indirect_vreg.gather [hbm4b:s7+s3], $0x80, v3, vm0, $0xb8;
	[tilespmem:$0x1E200] =	vst v63  }
0x266: {  	v3 =	vld [tilespmem:$0x178];
	_ =	sdelay $0x4  }
0x267: {  	v54 =	vshll.u32 v3, $0x3  }
0x268: {  	v3 =	vand.u32 $0x7, v3;
	v4 =	vand.u32 $0xFFFFFFC0, v54  }
0x269: {  	v3 =	vor.u32 v3, v4  }
0x26a: {  	v4 =	vperm.xlane v3, v0;
	_ =	sdelay $0x1  }
0x26b: {  	v4 =	vadd.s32 v1, v4;
	_ =	sdelay $0x3  }
0x26c: {  	s18 =	simm.s32 $0x4200  }
0x26d: {  	[tilespmem:s18], [sflag:$0x1] =	stream.indirect_vreg.gather [hbm4b:s2+s3], $0x80, v4, vm0, $0xb8;
	[tilespmem:$0x1E200] =	vst v63  }
0x26e: {  	s23 =	simm.s32 $0x4A00;
	v3 =	vperm.xlane v3, v2  }
0x26f: {  	[tilespmem:s23], [sflag:$0x1] =	stream.indirect_vreg.gather [hbm4b:s5+s3], $0x80, v4, vm0, $0xb8;
	[tilespmem:$0x1E200] =	vst v63  }
0x270: {  	s12 =	simm.s32 $0x5200;
	v3 =	vadd.s32 v1, v3  }
0x271: {  	[tilespmem:s12], [sflag:$0x1] =	stream.indirect_vreg.gather [hbm4b:s6+s3], $0x80, v4, vm0, $0xb8;
	[tilespmem:$0x1E200] =	vst v63  }
0x272: {  	s13 =	simm.s32 $0x5A00  }
0x273: {  	[tilespmem:s13], [sflag:$0x1] =	stream.indirect_vreg.gather [hbm4b:s7+s3], $0x80, v4, vm0, $0xb8;
	[tilespmem:$0x1E200] =	vst v63  }
0x274: {  	s17 =	simm.s32 $0x6200  }
0x275: {  	[tilespmem:s17], [sflag:$0x1] =	stream.indirect_vreg.gather [hbm4b:s2+s3], $0x80, v3, vm0, $0xb8;
	[tilespmem:$0x1E200] =	vst v63  }
0x276: {  	s21 =	simm.s32 $0x6A00  }
0x277: {  	[tilespmem:s21], [sflag:$0x1] =	stream.indirect_vreg.gather [hbm4b:s5+s3], $0x80, v3, vm0, $0xb8;
	[tilespmem:$0x1E200] =	vst v63  }
0x278: {  	s31 =	simm.s32 $0x7200  }
0x279: {  	[tilespmem:s31], [sflag:$0x1] =	stream.indirect_vreg.gather [hbm4b:s6+s3], $0x80, v3, vm0, $0xb8;
	[tilespmem:$0x1E200] =	vst v63  }
0x27a: {  	s23 =	simm.s32 $0x7A00  }
0x27b: {  	[tilespmem:s23], [sflag:$0x1] =	stream.indirect_vreg.gather [hbm4b:s7+s3], $0x80, v3, vm0, $0xb8;
	[tilespmem:$0x1E200] =	vst v63  }
0x27c: {  	v3 =	vld.msk [tilespmem:$0x188], $0xff;
	_ =	sdelay $0x4  }
0x27d: {  	v55 =	vshll.u32 v3, $0x3  }
0x27e: {  	v3 =	vand.u32 $0x7, v3;
	v4 =	vand.u32 $0xFFFFFFC0, v55  }
0x27f: {  	v3 =	vor.u32 v3, v4  }
0x280: {  	v3 =	vperm.xlane v3, v0;
	_ =	sdelay $0x1  }
0x281: {  	v3 =	vadd.s32 v1, v3;
	_ =	sdelay $0x3  }
0x282: {  	s31 =	simm.s32 $0x8200  }
0x283: {  	[tilespmem:s31], [sflag:$0x1] =	stream.indirect_vreg.gather [hbm4b:s2+s3], $0x80, v3, vm0, $0xb8;
	[tilespmem:$0x1E200] =	vst v63  }
0x284: {  	s31 =	simm.s32 $0x8A00  }
0x285: {  	[tilespmem:s31], [sflag:$0x1] =	stream.indirect_vreg.gather [hbm4b:s5+s3], $0x80, v3, vm0, $0xb8;
	[tilespmem:$0x1E200] =	vst v63  }
0x286: {  	s31 =	simm.s32 $0x9200  }
0x287: {  	[tilespmem:s31], [sflag:$0x1] =	stream.indirect_vreg.gather [hbm4b:s6+s3], $0x80, v3, vm0, $0xb8;
	[tilespmem:$0x1E200] =	vst v63  }
0x288: {  	s31 =	simm.s32 $0x9A00  }
0x289: {  	[tilespmem:s31], [sflag:$0x1] =	stream.indirect_vreg.gather [hbm4b:s7+s3], $0x80, v3, vm0, $0xb8;
	[tilespmem:$0x1E200] =	vst v63  }
0x28a: {  	_ =	swait.ge [sflag:s26], $0xA000  }
0x28b: {  	[sflag:s26] =	ssyncset.done $0x0  }
0x28c: {  	s31 =	rddreg [dreg:$0xb];
	[sflag:s26] =	ssyncadd.s32 $0xFFFF6000  }
0x28d: {  	[hbm4b:s31+s3] =	stream.linear.scatter [tilespmem:s10], [sflag:$0x5], $0xA000, $0x38;
	[tilespmem:$0x1E200] =	vst v63  }
0x28e: {  	_ =	swait.ge [sflag:s28], $0xA000  }
0x28f: {  	[sflag:s28] =	ssyncset.done $0x0  }
0x290: {  	[sflag:s28] =	ssyncadd.s32 $0xFFFF6000  }
0x291: {  	v3 =	vld [tilespmem:$0x190];
	_ =	sdelay $0x4  }
0x292: {  	v56 =	vshll.u32 v3, $0x3  }
0x293: {  	v3 =	vand.u32 $0x7, v3;
	v4 =	vand.u32 $0xFFFFFFC0, v56  }
0x294: {  	v3 =	vor.u32 v3, v4  }
0x295: {  	v4 =	vperm.xlane v3, v0;
	_ =	sdelay $0x1  }
0x296: {  	v4 =	vadd.s32 v1, v4;
	_ =	sdelay $0x4  }
0x297: {  	[tilespmem:s10], [sflag:$0x2] =	stream.indirect_vreg.gather [hbm4b:s2+s3], $0x80, v4, vm0, $0xb8;
	[tilespmem:$0x1E200] =	vst v63  }
0x298: {  	s31 =	simm.s32 $0xAA00;
	v3 =	vperm.xlane v3, v2  }
0x299: {  	[tilespmem:s31], [sflag:$0x2] =	stream.indirect_vreg.gather [hbm4b:s5+s3], $0x80, v4, vm0, $0xb8;
	[tilespmem:$0x1E200] =	vst v63  }
0x29a: {  	v3 =	vadd.s32 v1, v3;
	s31 =	simm.s32 $0xB200  }
0x29b: {  	[tilespmem:s31], [sflag:$0x2] =	stream.indirect_vreg.gather [hbm4b:s6+s3], $0x80, v4, vm0, $0xb8;
	[tilespmem:$0x1E200] =	vst v63  }
0x29c: {  	s31 =	simm.s32 $0xBA00  }
0x29d: {  	[tilespmem:s31], [sflag:$0x2] =	stream.indirect_vreg.gather [hbm4b:s7+s3], $0x80, v4, vm0, $0xb8;
	[tilespmem:$0x1E200] =	vst v63  }
0x29e: {  	s31 =	simm.s32 $0xC200  }
0x29f: {  	[tilespmem:s31], [sflag:$0x2] =	stream.indirect_vreg.gather [hbm4b:s2+s3], $0x80, v3, vm0, $0xb8;
	[tilespmem:$0x1E200] =	vst v63  }
0x2a0: {  	s31 =	simm.s32 $0xCA00  }
0x2a1: {  	[tilespmem:s31], [sflag:$0x2] =	stream.indirect_vreg.gather [hbm4b:s5+s3], $0x80, v3, vm0, $0xb8;
	[tilespmem:$0x1E200] =	vst v63  }
0x2a2: {  	s31 =	simm.s32 $0xD200  }
0x2a3: {  	[tilespmem:s31], [sflag:$0x2] =	stream.indirect_vreg.gather [hbm4b:s6+s3], $0x80, v3, vm0, $0xb8;
	[tilespmem:$0x1E200] =	vst v63  }
0x2a4: {  	s31 =	simm.s32 $0xDA00  }
0x2a5: {  	[tilespmem:s31], [sflag:$0x2] =	stream.indirect_vreg.gather [hbm4b:s7+s3], $0x80, v3, vm0, $0xb8;
	[tilespmem:$0x1E200] =	vst v63  }
0x2a6: {  	v3 =	vld [tilespmem:$0x1A0];
	_ =	sdelay $0x4  }
0x2a7: {  	v57 =	vshll.u32 v3, $0x3  }
0x2a8: {  	v3 =	vand.u32 $0x7, v3;
	v4 =	vand.u32 $0xFFFFFFC0, v57  }
0x2a9: {  	v3 =	vor.u32 v3, v4  }
0x2aa: {  	v4 =	vperm.xlane v3, v0;
	_ =	sdelay $0x1  }
0x2ab: {  	v4 =	vadd.s32 v1, v4;
	_ =	sdelay $0x3  }
0x2ac: {  	s31 =	simm.s32 $0xE200  }
0x2ad: {  	[tilespmem:s31], [sflag:$0x2] =	stream.indirect_vreg.gather [hbm4b:s2+s3], $0x80, v4, vm0, $0xb8;
	[tilespmem:$0x1E200] =	vst v63  }
0x2ae: {  	v3 =	vperm.xlane v3, v2;
	s31 =	simm.s32 $0xEA00  }
0x2af: {  	[tilespmem:s31], [sflag:$0x2] =	stream.indirect_vreg.gather [hbm4b:s5+s3], $0x80, v4, vm0, $0xb8;
	[tilespmem:$0x1E200] =	vst v63  }
0x2b0: {  	v3 =	vadd.s32 v1, v3;
	s31 =	simm.s32 $0xF200  }
0x2b1: {  	[tilespmem:s31], [sflag:$0x2] =	stream.indirect_vreg.gather [hbm4b:s6+s3], $0x80, v4, vm0, $0xb8;
	[tilespmem:$0x1E200] =	vst v63  }
0x2b2: {  	s31 =	simm.s32 $0xFA00  }
0x2b3: {  	[tilespmem:s31], [sflag:$0x2] =	stream.indirect_vreg.gather [hbm4b:s7+s3], $0x80, v4, vm0, $0xb8;
	[tilespmem:$0x1E200] =	vst v63  }
0x2b4: {  	s31 =	simm.s32 $0x10200  }
0x2b5: {  	[tilespmem:s31], [sflag:$0x2] =	stream.indirect_vreg.gather [hbm4b:s2+s3], $0x80, v3, vm0, $0xb8;
	[tilespmem:$0x1E200] =	vst v63  }
0x2b6: {  	s31 =	simm.s32 $0x10A00  }
0x2b7: {  	[tilespmem:s31], [sflag:$0x2] =	stream.indirect_vreg.gather [hbm4b:s5+s3], $0x80, v3, vm0, $0xb8;
	[tilespmem:$0x1E200] =	vst v63  }
0x2b8: {  	s31 =	simm.s32 $0x11200  }
0x2b9: {  	[tilespmem:s31], [sflag:$0x2] =	stream.indirect_vreg.gather [hbm4b:s6+s3], $0x80, v3, vm0, $0xb8;
	[tilespmem:$0x1E200] =	vst v63  }
0x2ba: {  	s31 =	simm.s32 $0x11A00  }
0x2bb: {  	[tilespmem:s31], [sflag:$0x2] =	stream.indirect_vreg.gather [hbm4b:s7+s3], $0x80, v3, vm0, $0xb8;
	[tilespmem:$0x1E200] =	vst v63  }
0x2bc: {  	v3 =	vld.msk [tilespmem:$0x1B0], $0xff;
	_ =	sdelay $0x4  }
0x2bd: {  	v58 =	vshll.u32 v3, $0x3  }
0x2be: {  	v3 =	vand.u32 $0x7, v3;
	v4 =	vand.u32 $0xFFFFFFC0, v58  }
0x2bf: {  	v3 =	vor.u32 v3, v4  }
0x2c0: {  	v3 =	vperm.xlane v3, v0;
	_ =	sdelay $0x1  }
0x2c1: {  	v3 =	vadd.s32 v1, v3;
	_ =	sdelay $0x3  }
0x2c2: {  	s31 =	simm.s32 $0x12200  }
0x2c3: {  	[tilespmem:s31], [sflag:$0x2] =	stream.indirect_vreg.gather [hbm4b:s2+s3], $0x80, v3, vm0, $0xb8;
	[tilespmem:$0x1E200] =	vst v63  }
0x2c4: {  	s31 =	simm.s32 $0x12A00  }
0x2c5: {  	[tilespmem:s31], [sflag:$0x2] =	stream.indirect_vreg.gather [hbm4b:s5+s3], $0x80, v3, vm0, $0xb8;
	[tilespmem:$0x1E200] =	vst v63  }
0x2c6: {  	s31 =	simm.s32 $0x13200  }
0x2c7: {  	[tilespmem:s31], [sflag:$0x2] =	stream.indirect_vreg.gather [hbm4b:s6+s3], $0x80, v3, vm0, $0xb8;
	[tilespmem:$0x1E200] =	vst v63  }
0x2c8: {  	s31 =	simm.s32 $0x13A00  }
0x2c9: {  	[tilespmem:s31], [sflag:$0x2] =	stream.indirect_vreg.gather [hbm4b:s7+s3], $0x80, v3, vm0, $0xb8;
	[tilespmem:$0x1E200] =	vst v63  }
0x2ca: {  	_ =	swait.ge [sflag:s29], $0xA000  }
0x2cb: {  	[sflag:s29] =	ssyncset.done $0x0  }
0x2cc: {  	s31 =	rddreg [dreg:$0xc];
	[sflag:s29] =	ssyncadd.s32 $0xFFFF6000  }
0x2cd: {  	[hbm4b:s31+s3] =	stream.linear.scatter [tilespmem:s9], [sflag:$0x6], $0xA000, $0x38;
	[tilespmem:$0x1E200] =	vst v63  }
0x2ce: {  	_ =	swait.ge [sflag:s30], $0xA000  }
0x2cf: {  	[sflag:s30] =	ssyncset.done $0x0  }
0x2d0: {  	[sflag:s30] =	ssyncadd.s32 $0xFFFF6000  }
0x2d1: {  	v3 =	vld [tilespmem:$0x1B8];
	_ =	sdelay $0x4  }
0x2d2: {  	v59 =	vshll.u32 v3, $0x3  }
0x2d3: {  	v3 =	vand.u32 $0x7, v3;
	v4 =	vand.u32 $0xFFFFFFC0, v59  }
0x2d4: {  	v3 =	vor.u32 v3, v4  }
0x2d5: {  	v4 =	vperm.xlane v3, v0;
	_ =	sdelay $0x1  }
0x2d6: {  	v4 =	vadd.s32 v1, v4;
	_ =	sdelay $0x4  }
0x2d7: {  	[tilespmem:s9], [sflag:$0x3] =	stream.indirect_vreg.gather [hbm4b:s2+s3], $0x80, v4, vm0, $0xb8;
	[tilespmem:$0x1E200] =	vst v63  }
0x2d8: {  	s31 =	simm.s32 $0x14A00;
	v3 =	vperm.xlane v3, v2  }
0x2d9: {  	[tilespmem:s31], [sflag:$0x3] =	stream.indirect_vreg.gather [hbm4b:s5+s3], $0x80, v4, vm0, $0xb8;
	[tilespmem:$0x1E200] =	vst v63  }
0x2da: {  	v3 =	vadd.s32 v1, v3;
	s31 =	simm.s32 $0x15200  }
0x2db: {  	[tilespmem:s31], [sflag:$0x3] =	stream.indirect_vreg.gather [hbm4b:s6+s3], $0x80, v4, vm0, $0xb8;
	[tilespmem:$0x1E200] =	vst v63  }
0x2dc: {  	s31 =	simm.s32 $0x15A00  }
0x2dd: {  	[tilespmem:s31], [sflag:$0x3] =	stream.indirect_vreg.gather [hbm4b:s7+s3], $0x80, v4, vm0, $0xb8;
	[tilespmem:$0x1E200] =	vst v63  }
0x2de: {  	s31 =	simm.s32 $0x16200  }
0x2df: {  	[tilespmem:s31], [sflag:$0x3] =	stream.indirect_vreg.gather [hbm4b:s2+s3], $0x80, v3, vm0, $0xb8;
	[tilespmem:$0x1E200] =	vst v63  }
0x2e0: {  	s31 =	simm.s32 $0x16A00  }
0x2e1: {  	[tilespmem:s31], [sflag:$0x3] =	stream.indirect_vreg.gather [hbm4b:s5+s3], $0x80, v3, vm0, $0xb8;
	[tilespmem:$0x1E200] =	vst v63  }
0x2e2: {  	s31 =	simm.s32 $0x17200  }
0x2e3: {  	[tilespmem:s31], [sflag:$0x3] =	stream.indirect_vreg.gather [hbm4b:s6+s3], $0x80, v3, vm0, $0xb8;
	[tilespmem:$0x1E200] =	vst v63  }
0x2e4: {  	s31 =	simm.s32 $0x17A00  }
0x2e5: {  	[tilespmem:s31], [sflag:$0x3] =	stream.indirect_vreg.gather [hbm4b:s7+s3], $0x80, v3, vm0, $0xb8;
	[tilespmem:$0x1E200] =	vst v63  }
0x2e6: {  	v3 =	vld [tilespmem:$0x1C8];
	_ =	sdelay $0x4  }
0x2e7: {  	v60 =	vshll.u32 v3, $0x3  }
0x2e8: {  	v3 =	vand.u32 $0x7, v3;
	v4 =	vand.u32 $0xFFFFFFC0, v60  }
0x2e9: {  	v3 =	vor.u32 v3, v4  }
0x2ea: {  	v4 =	vperm.xlane v3, v0;
	_ =	sdelay $0x1  }
0x2eb: {  	v4 =	vadd.s32 v1, v4;
	_ =	sdelay $0x3  }
0x2ec: {  	s31 =	simm.s32 $0x18200  }
0x2ed: {  	[tilespmem:s31], [sflag:$0x3] =	stream.indirect_vreg.gather [hbm4b:s2+s3], $0x80, v4, vm0, $0xb8;
	[tilespmem:$0x1E200] =	vst v63  }
0x2ee: {  	v3 =	vperm.xlane v3, v2;
	s31 =	simm.s32 $0x18A00  }
0x2ef: {  	[tilespmem:s31], [sflag:$0x3] =	stream.indirect_vreg.gather [hbm4b:s5+s3], $0x80, v4, vm0, $0xb8;
	[tilespmem:$0x1E200] =	vst v63  }
0x2f0: {  	v3 =	vadd.s32 v1, v3;
	s31 =	simm.s32 $0x19200  }
0x2f1: {  	[tilespmem:s31], [sflag:$0x3] =	stream.indirect_vreg.gather [hbm4b:s6+s3], $0x80, v4, vm0, $0xb8;
	[tilespmem:$0x1E200] =	vst v63  }
0x2f2: {  	s31 =	simm.s32 $0x19A00  }
0x2f3: {  	[tilespmem:s31], [sflag:$0x3] =	stream.indirect_vreg.gather [hbm4b:s7+s3], $0x80, v4, vm0, $0xb8;
	[tilespmem:$0x1E200] =	vst v63  }
0x2f4: {  	s31 =	simm.s32 $0x1A200  }
0x2f5: {  	[tilespmem:s31], [sflag:$0x3] =	stream.indirect_vreg.gather [hbm4b:s2+s3], $0x80, v3, vm0, $0xb8;
	[tilespmem:$0x1E200] =	vst v63  }
0x2f6: {  	s31 =	simm.s32 $0x1AA00  }
0x2f7: {  	[tilespmem:s31], [sflag:$0x3] =	stream.indirect_vreg.gather [hbm4b:s5+s3], $0x80, v3, vm0, $0xb8;
	[tilespmem:$0x1E200] =	vst v63  }
0x2f8: {  	s31 =	simm.s32 $0x1B200  }
0x2f9: {  	[tilespmem:s31], [sflag:$0x3] =	stream.indirect_vreg.gather [hbm4b:s6+s3], $0x80, v3, vm0, $0xb8;
	[tilespmem:$0x1E200] =	vst v63  }
0x2fa: {  	s31 =	simm.s32 $0x1BA00  }
0x2fb: {  	[tilespmem:s31], [sflag:$0x3] =	stream.indirect_vreg.gather [hbm4b:s7+s3], $0x80, v3, vm0, $0xb8;
	[tilespmem:$0x1E200] =	vst v63  }
0x2fc: {  	v3 =	vld.msk [tilespmem:$0x1D8], $0xff;
	_ =	sdelay $0x4  }
0x2fd: {  	v61 =	vshll.u32 v3, $0x3  }
0x2fe: {  	v3 =	vand.u32 $0x7, v3;
	v4 =	vand.u32 $0xFFFFFFC0, v61  }
0x2ff: {  	v3 =	vor.u32 v3, v4  }
0x300: {  	v3 =	vperm.xlane v3, v0;
	_ =	sdelay $0x1  }
0x301: {  	v3 =	vadd.s32 v1, v3;
	_ =	sdelay $0x3  }
0x302: {  	s31 =	simm.s32 $0x1C200  }
0x303: {  	[tilespmem:s31], [sflag:$0x3] =	stream.indirect_vreg.gather [hbm4b:s2+s3], $0x80, v3, vm0, $0xb8;
	[tilespmem:$0x1E200] =	vst v63  }
0x304: {  	s31 =	simm.s32 $0x1CA00  }
0x305: {  	[tilespmem:s31], [sflag:$0x3] =	stream.indirect_vreg.gather [hbm4b:s5+s3], $0x80, v3, vm0, $0xb8;
	[tilespmem:$0x1E200] =	vst v63  }
0x306: {  	s31 =	simm.s32 $0x1D200  }
0x307: {  	[tilespmem:s31], [sflag:$0x3] =	stream.indirect_vreg.gather [hbm4b:s6+s3], $0x80, v3, vm0, $0xb8;
	[tilespmem:$0x1E200] =	vst v63  }
0x308: {  	s31 =	simm.s32 $0x1DA00  }
0x309: {  	[tilespmem:s31], [sflag:$0x3] =	stream.indirect_vreg.gather [hbm4b:s7+s3], $0x80, v3, vm0, $0xb8;
	[tilespmem:$0x1E200] =	vst v63  }
0x30a: {  	_ =	swait.ge [sflag:s1], $0xA000  }
0x30b: {  	[sflag:s1] =	ssyncset.done $0x0  }
0x30c: {  	s31 =	rddreg [dreg:$0xd];
	[sflag:s1] =	ssyncadd.s32 $0xFFFF6000  }
0x30d: {  	[hbm4b:s31+s3] =	stream.linear.scatter [tilespmem:s15], [sflag:$0x4], $0xA000, $0x38;
	[tilespmem:$0x1E200] =	vst v63  }
0x30e: {  	_ =	swait.ge [sflag:s4], $0xA000  }
0x30f: {  	[sflag:s4] =	ssyncset.done $0x0  }
0x310: {  	[sflag:s4] =	ssyncadd.s32 $0xFFFF6000  }
0x311: {  	v3 =	vld [tilespmem:$0x1E0];
	_ =	sdelay $0x4  }
0x312: {  	v62 =	vshll.u32 v3, $0x3  }
0x313: {  	v3 =	vand.u32 $0x7, v3;
	v4 =	vand.u32 $0xFFFFFFC0, v62  }
0x314: {  	v3 =	vor.u32 v3, v4  }
0x315: {  	v4 =	vperm.xlane v3, v0;
	_ =	sdelay $0x1  }
0x316: {  	v4 =	vadd.s32 v1, v4;
	_ =	sdelay $0x4  }
0x317: {  	[tilespmem:s15], [sflag:$0x1] =	stream.indirect_vreg.gather [hbm4b:s2+s3], $0x80, v4, vm0, $0xb8;
	[tilespmem:$0x1E200] =	vst v63  }
0x318: {  	s20 =	simm.s32 $0xA00;
	v3 =	vperm.xlane v3, v2  }
0x319: {  	[tilespmem:s20], [sflag:$0x1] =	stream.indirect_vreg.gather [hbm4b:s5+s3], $0x80, v4, vm0, $0xb8;
	[tilespmem:$0x1E200] =	vst v63  }
0x31a: {  	s19 =	simm.s32 $0x1200;
	v3 =	vadd.s32 v1, v3  }
0x31b: {  	[tilespmem:s19], [sflag:$0x1] =	stream.indirect_vreg.gather [hbm4b:s6+s3], $0x80, v4, vm0, $0xb8;
	[tilespmem:$0x1E200] =	vst v63  }
0x31c: {  	s20 =	simm.s32 $0x1A00  }
0x31d: {  	[tilespmem:s20], [sflag:$0x1] =	stream.indirect_vreg.gather [hbm4b:s7+s3], $0x80, v4, vm0, $0xb8;
	[tilespmem:$0x1E200] =	vst v63  }
0x31e: {  	s14 =	simm.s32 $0x2200  }
0x31f: {  	[tilespmem:s14], [sflag:$0x1] =	stream.indirect_vreg.gather [hbm4b:s2+s3], $0x80, v3, vm0, $0xb8;
	[tilespmem:$0x1E200] =	vst v63  }
0x320: {  	s24 =	simm.s32 $0x2A00  }
0x321: {  	[tilespmem:s24], [sflag:$0x1] =	stream.indirect_vreg.gather [hbm4b:s5+s3], $0x80, v3, vm0, $0xb8;
	[tilespmem:$0x1E200] =	vst v63  }
0x322: {  	s22 =	simm.s32 $0x3200  }
0x323: {  	[tilespmem:s22], [sflag:$0x1] =	stream.indirect_vreg.gather [hbm4b:s6+s3], $0x80, v3, vm0, $0xb8;
	[tilespmem:$0x1E200] =	vst v63  }
0x324: {  	s11 =	simm.s32 $0x3A00  }
0x325: {  	[tilespmem:s11], [sflag:$0x1] =	stream.indirect_vreg.gather [hbm4b:s7+s3], $0x80, v3, vm0, $0xb8;
	[tilespmem:$0x1E200] =	vst v63  }
0x326: {  	v3 =	vld [tilespmem:$0x1F0];
	_ =	sdelay $0x4  }
0x327: {  	v63 =	vshll.u32 v3, $0x3  }
0x328: {  	v3 =	vand.u32 $0x7, v3;
	v4 =	vand.u32 $0xFFFFFFC0, v63  }
0x329: {  	v3 =	vor.u32 v3, v4  }
0x32a: {  	v4 =	vperm.xlane v3, v0;
	_ =	sdelay $0x1  }
0x32b: {  	v4 =	vadd.s32 v1, v4;
	_ =	sdelay $0x3  }
0x32c: {  	s25 =	simm.s32 $0x4200  }
0x32d: {  	[tilespmem:s25], [sflag:$0x1] =	stream.indirect_vreg.gather [hbm4b:s2+s3], $0x80, v4, vm0, $0xb8;
	[tilespmem:$0x1E200] =	vst v63  }
0x32e: {  	s18 =	simm.s32 $0x4A00;
	v3 =	vperm.xlane v3, v2  }
0x32f: {  	[tilespmem:s18], [sflag:$0x1] =	stream.indirect_vreg.gather [hbm4b:s5+s3], $0x80, v4, vm0, $0xb8;
	[tilespmem:$0x1E200] =	vst v63  }
0x330: {  	s16 =	simm.s32 $0x5200;
	v3 =	vadd.s32 v1, v3  }
0x331: {  	[tilespmem:s16], [sflag:$0x1] =	stream.indirect_vreg.gather [hbm4b:s6+s3], $0x80, v4, vm0, $0xb8;
	[tilespmem:$0x1E200] =	vst v63  }
0x332: {  	s12 =	simm.s32 $0x5A00  }
0x333: {  	[tilespmem:s12], [sflag:$0x1] =	stream.indirect_vreg.gather [hbm4b:s7+s3], $0x80, v4, vm0, $0xb8;
	[tilespmem:$0x1E200] =	vst v63  }
0x334: {  	s13 =	simm.s32 $0x6200  }
0x335: {  	[tilespmem:s13], [sflag:$0x1] =	stream.indirect_vreg.gather [hbm4b:s2+s3], $0x80, v3, vm0, $0xb8;
	[tilespmem:$0x1E200] =	vst v63  }
0x336: {  	s17 =	simm.s32 $0x6A00  }
0x337: {  	[tilespmem:s17], [sflag:$0x1] =	stream.indirect_vreg.gather [hbm4b:s5+s3], $0x80, v3, vm0, $0xb8;
	[tilespmem:$0x1E200] =	vst v63  }
0x338: {  	s21 =	simm.s32 $0x7200  }
0x339: {  	[tilespmem:s21], [sflag:$0x1] =	stream.indirect_vreg.gather [hbm4b:s6+s3], $0x80, v3, vm0, $0xb8;
	[tilespmem:$0x1E200] =	vst v63  }
0x33a: {  	s23 =	simm.s32 $0x7A00  }
0x33b: {  	[tilespmem:s23], [sflag:$0x1] =	stream.indirect_vreg.gather [hbm4b:s7+s3], $0x80, v3, vm0, $0xb8;
	[tilespmem:$0x1E200] =	vst v63  }
0x33c: {  	_ =	swait.ge [sflag:s26], $0xA000  }
0x33d: {  	[sflag:s26] =	ssyncset.done $0x0  }
0x33e: {  	s24 =	rddreg [dreg:$0xe];
	[sflag:s26] =	ssyncadd.s32 $0xFFFF6000  }
0x33f: {  	[hbm4b:s24+s3] =	stream.linear.scatter [tilespmem:s10], [sflag:$0x5], $0xA000, $0x38;
	[tilespmem:$0x1E200] =	vst v63  }
0x340: {  	_ =	swait.ge [sflag:s29], $0xA000  }
0x341: {  	[sflag:s29] =	ssyncset.done $0x0  }
0x342: {  	s25 =	rddreg [dreg:$0xf];
	[sflag:s29] =	ssyncadd.s32 $0xFFFF6000  }
0x343: {  	[hbm4b:s25+s3] =	stream.linear.scatter [tilespmem:s9], [sflag:$0x6], $0xA000, $0x38;
	[tilespmem:$0x1E200] =	vst v63  }
0x344: {  	_ =	swait.ge [sflag:s1], $0x8000  }
0x345: {  	[sflag:s1] =	ssyncset.done $0x0  }
0x346: {  	s31 =	rddreg [dreg:$0x10];
	[sflag:s1] =	ssyncadd.s32 $0xFFFF8000  }
0x347: {  	[hbm4b:s31+s3] =	stream.linear.scatter [tilespmem:s15], [sflag:$0x4], $0x8000, $0x38;
	[tilespmem:$0x1E200] =	vst v63  }
0x348: {  	_ =	swait.ge [sflag:s4], $0x8000  }
0x349: {  	[sflag:s4] =	ssyncset.done $0x0  }
0x34a: {  	[sflag:s4] =	ssyncadd.s32 $0xFFFF8000  }
0x34b: {  	p0 =	sne.s32 s8, $0x1;
	_ =	swait.ge [sflag:s28], $0xA000  }
.Ltmp0:
0x34c: {  	[sflag:s28] =	ssyncset.done $0x0;
	(pc) =	sbr.rel @p0 .LBB2_1-.Ltmp0, $4  }
0x34d: {  	[sflag:s28] =	ssyncadd.s32 $0xFFFF6000  }
0x34e: {  	_ =	swait.ge [sflag:s30], $0xA000  }
0x34f: {  	[sflag:s30] =	ssyncset.done $0x0  }
0x350: {  	s8 =	sadd.s32 $0xFFFFFFFF, s8;
	[sflag:s30] =	ssyncadd.s32 $0xFFFF6000  }
0x351: {  	_ =	sfence.sel $0x180000  }
0x352: {  	[bflag:$0x0] =	sbarrier.arrive $0xFFFF  }
0x353: {  	_ =	strace $0x90000047  }
0x354: {  	s0 =	stileid.u32;
	[bflag:$0x2] =	sbarrier.arrive $0xFFFF  }
0x355: {  	p0 =	sne.s32 s0, $0x0;
	s0 =	rddreg [dreg:$0x3]  }
0x356: {  	s0 =	sadd.s32 @!p0 $0x100000, s0  }
0x357: {  	[sflag:s0] =	ssyncadd.tile.s32 @!p0 $0x1;
	_ =	shalt  }
.Lfunc_end2:
_tile_overlayer_lowered:
.L_overlay_start_2:
0x358: {  	(tag) =	ssettag $0x2  }
0x359: {  	s0 =	rddreg [dreg:$0x0];
	s2 =	stileid.u32  }
0x35a: {  	s1 =	rddreg [dreg:$0x1];
	p0 =	sne.s32 s2, $0x0  }
0x35b: {  	s3 =	rddreg [dreg:$0x2];
	[bflag:$0x3] =	sbarrier.arrive $0xFFFF;
	s2 =	simm.s32 @!p0 $0x1C07  }
0x35c: {  	[timem:s3], [sflag:s2] =	dma.local @!p0 [hbm:s0], s1  }
0x35d: {  	s0 =	simm.s32 @!p0 $0x7  }
0x35e: {  	_ =	swait.ge @!p0 [sflag:s0], s1  }
0x35f: {  	s1 =	ssub.s32 @!p0 $0x0, s1;
	[sflag:s0] =	ssyncset.done @!p0 $0x0  }
0x360: {  	[sflag:s0] =	ssyncadd.s32 @!p0 s1  }
0x361: {  	[bflag:$0x3] =	sbarrier.arrive $0xFFFF  }
0x362: {  	_ =	shalt  }

</sc_bundles>
